<compile_context>
chip_gen: v7x
topology: tpu7x:2x2x1
jax: 0.10.2.dev20260603
libtpu: 0.0.44.dev20260713+nightly
codegen_flags: <defaults>
</compile_context>

<pallas_src>
import functools

import jax
import jax.numpy as jnp
from jax import lax
from jax.experimental import pallas as pl
from jax.experimental.pallas import tpu as pltpu
from jax.experimental.pallas import tpu_sc as plsc

N_NODES = 10000
N_EDGES = 160000
D_FEAT = 256
D_HID = 512
D2 = 2 * D_HID
N_CENTER = 1024
AUGW = D_HID
ACCW = D_HID + 128
NC, NS = 2, 16
NW = NC * NS
EPT = 5008
E_PAD = EPT * NW
CHUNKS = EPT // 16
G = 64
CW = 128
COMP = 5120
SEG_B = 512
SLOT_PAD = N_NODES + 16
TRASH = N_CENTER
ROWS_BLK = 1000


def _x0aug_body(x_ref, w_ref, b_ref, o_ref):
    acc = jnp.dot(x_ref[...], w_ref[...], preferred_element_type=jnp.float32)
    o_ref[...] = acc + b_ref[...]


def _x0aug(x, W0, b0):
    return pl.pallas_call(
        _x0aug_body,
        grid=(N_NODES // ROWS_BLK,),
        in_specs=[
            pl.BlockSpec((ROWS_BLK, D_FEAT), lambda i: (i, 0)),
            pl.BlockSpec((D_FEAT, D_HID), lambda i: (0, 0)),
            pl.BlockSpec((1, D_HID), lambda i: (0, 0)),
        ],
        out_specs=pl.BlockSpec((ROWS_BLK, AUGW), lambda i: (i, 0)),
        out_shape=jax.ShapeDtypeStruct((N_NODES, AUGW), jnp.float32),
    )(x, W0, b0)


def _sc_body(src_hbm, dst_hbm, cen_hbm, x0_hbm,
             rows_out, slots_out, counts_out, x0c_out, pos_out,
             slotmap, cen_v, src_v, dst_v, comp_src, comp_slot,
             idx_g, idx_s, idx_c, rows_v, rows_w, cnt_v, pos_v, sem, semw,
             semw2):
    cid = lax.axis_index("c")
    sid = lax.axis_index("s")
    wid = sid * NC + cid

    ebase = wid * EPT
    pltpu.sync_copy(src_hbm.at[pl.ds(ebase, EPT)], src_v)
    pltpu.sync_copy(dst_hbm.at[pl.ds(ebase, EPT)], dst_v)
    pltpu.sync_copy(cen_hbm, cen_v)

    zero16 = jnp.zeros((16,), jnp.int32)
    one16 = jnp.ones((16,), jnp.int32)
    def _init_slot(i, c):
        slotmap[pl.ds(i * 16, 16)] = zero16
        return c
    lax.fori_loop(0, SLOT_PAD // 16, _init_slot, 0)

    def _member(i, c):
        cv = cen_v[pl.ds(i * 16, 16)]
        plsc.store_scatter(slotmap, [cv], one16)
        return c
    lax.fori_loop(0, N_CENTER // 16, _member, 0)

    def _rank(i, run):
        v = slotmap[pl.ds(i * 16, 16)]
        inc = plsc.cumsum(v)
        rank = run + inc - v
        slotmap[pl.ds(i * 16, 16)] = jnp.where(v > 0, rank, -1)
        return run + inc[15]
    lax.fori_loop(0, SLOT_PAD // 16, _rank, jnp.int32(0))

    trash16 = jnp.full((16,), TRASH, jnp.int32)
    def _init_comp(i, c):
        comp_src[pl.ds(i * 16, 16)] = zero16
        comp_slot[pl.ds(i * 16, 16)] = trash16
        return c
    lax.fori_loop(0, COMP // 16, _init_comp, 0)

    def _compress(i, n):
        d16 = dst_v[pl.ds(i * 16, 16)]
        s16 = plsc.load_gather(slotmap, [d16])
        m = s16 >= 0
        src16 = src_v[pl.ds(i * 16, 16)]
        inc = plsc.cumsum(m.astype(jnp.int32))
        pos = inc - 1 + n
        plsc.store_scatter(comp_src, [pos], src16, mask=m)
        plsc.store_scatter(comp_slot, [pos], s16, mask=m)
        return n + inc[15]
    n_edges = lax.fori_loop(0, CHUNKS, _compress, jnp.int32(0))

    nbatch = (n_edges + (G - 1)) // G
    bufs = (rows_v, rows_w)
    idxs = (idx_g, idx_s)
    sems = (semw, semw2)
    def _agg2(jj, c):
        for h in range(2):
            j = jj * 2 + h
            @pl.when(j < nbatch)
            def _():
                base = j * G
                @pl.when(j >= 2)
                def _():
                    pltpu.make_async_copy(
                        bufs[h], rows_out.at[wid].at[pl.ds(0, G)],
                        sems[h]).wait()
                for k in range(G // 16):
                    idxs[h][pl.ds(k * 16, 16)] = comp_src[pl.ds(base + k * 16, 16)]
                pltpu.async_copy(x0_hbm.at[idxs[h]], bufs[h], sem).wait()
                pltpu.async_copy(bufs[h], rows_out.at[wid].at[pl.ds(base, G)],
                                 sems[h])
        return c
    lax.fori_loop(0, (nbatch + 1) // 2, _agg2, 0)
    for h in range(2):
        @pl.when(nbatch >= h + 1)
        def _():
            pltpu.make_async_copy(
                bufs[h], rows_out.at[wid].at[pl.ds(0, G)], sems[h]).wait()
    pltpu.sync_copy(comp_slot, slots_out.at[wid])
    nsplat = jnp.zeros((16,), jnp.int32) + n_edges
    for k in range(CW // 16):
        cnt_v[pl.ds(k * 16, 16)] = nsplat
    pltpu.sync_copy(cnt_v, counts_out.at[wid])

    pbase = wid * 32
    for k in range(2):
        idx_c[pl.ds(k * 16, 16)] = cen_v[pl.ds(pbase + k * 16, 16)]
    pltpu.async_copy(x0_hbm.at[idx_c], rows_v.at[pl.ds(0, 32)], sem).wait()
    pltpu.sync_copy(rows_v.at[pl.ds(0, 32)], x0c_out.at[pl.ds(pbase, 32)])
    for k in range(2):
        cv = cen_v[pl.ds(pbase + k * 16, 16)]
        pos_v[pl.ds(k * 16, 16)] = plsc.load_gather(slotmap, [cv])
    pltpu.sync_copy(pos_v, pos_out.at[pl.ds(pbase, 32)])


_sc_aggregate = functools.partial(
    pl.kernel,
    out_type=(
        jax.ShapeDtypeStruct((NW, COMP, AUGW), jnp.float32),
        jax.ShapeDtypeStruct((NW, COMP), jnp.int32),
        jax.ShapeDtypeStruct((NW, CW), jnp.int32),
        jax.ShapeDtypeStruct((N_CENTER, AUGW), jnp.float32),
        jax.ShapeDtypeStruct((N_CENTER,), jnp.int32),
    ),
    mesh=plsc.VectorSubcoreMesh(core_axis_name="c", subcore_axis_name="s",
                                num_cores=NC, num_subcores=NS),
    scratch_types=(
        pltpu.VMEM((SLOT_PAD,), jnp.int32),
        pltpu.VMEM((N_CENTER,), jnp.int32),
        pltpu.VMEM((EPT,), jnp.int32),
        pltpu.VMEM((EPT,), jnp.int32),
        pltpu.VMEM((COMP,), jnp.int32),
        pltpu.VMEM((COMP,), jnp.int32),
        pltpu.VMEM((G,), jnp.int32),
        pltpu.VMEM((G,), jnp.int32),
        pltpu.VMEM((32,), jnp.int32),
        pltpu.VMEM((G, AUGW), jnp.float32),
        pltpu.VMEM((G, AUGW), jnp.float32),
        pltpu.VMEM((CW,), jnp.int32),
        pltpu.VMEM((32,), jnp.int32),
        pltpu.SemaphoreType.DMA,
        pltpu.SemaphoreType.DMA,
        pltpu.SemaphoreType.DMA,
    ),
    compiler_params=pltpu.CompilerParams(needs_layout_passes=False),
)(_sc_body)


def _seg_body(counts_ref, slots_ref, rows_ref, acc_ref):
    t = pl.program_id(0)
    b = pl.program_id(1)

    @pl.when((t == 0) & (b == 0))
    def _():
        acc_ref[...] = jnp.zeros_like(acc_ref)

    @pl.when(b * SEG_B < counts_ref[t])
    def _():
        s = slots_ref[0]
        row_ids = lax.broadcasted_iota(jnp.int32, (N_CENTER, SEG_B), 0)
        onehot = (s == row_ids).astype(jnp.bfloat16)
        rows = rows_ref[0]
        hi = rows.astype(jnp.bfloat16)
        rem = rows - hi.astype(jnp.float32)
        mid = rem.astype(jnp.bfloat16)
        lo = (rem - mid.astype(jnp.float32)).astype(jnp.bfloat16)
        part = (jnp.dot(onehot, hi, preferred_element_type=jnp.float32)
                + jnp.dot(onehot, mid, preferred_element_type=jnp.float32)
                + jnp.dot(onehot, lo, preferred_element_type=jnp.float32))
        acc_ref[:, :D_HID] += part
        onehot = onehot.astype(jnp.float32)
        ind = jnp.sum(onehot, axis=1, keepdims=True)
        acc_ref[:, D_HID:] += jnp.broadcast_to(ind, (N_CENTER, ACCW - D_HID))


def _seg_sum(counts, slots, rows):
    nb = COMP // SEG_B

    def _beff(b, counts, t):
        bmax = jnp.maximum((counts[t] + SEG_B - 1) // SEG_B - 1, 0)
        return jnp.minimum(b, bmax)

    grid_spec = pltpu.PrefetchScalarGridSpec(
        num_scalar_prefetch=1,
        grid=(NW, nb),
        in_specs=[
            pl.BlockSpec(
                (1, 1, SEG_B),
                lambda t, b, counts: (t * nb + _beff(b, counts, t), 0, 0)),
            pl.BlockSpec(
                (1, SEG_B, AUGW),
                lambda t, b, counts: (t, _beff(b, counts, t), 0)),
        ],
        out_specs=pl.BlockSpec((N_CENTER, ACCW), lambda t, b, counts: (0, 0)),
    )
    slots3 = slots.reshape(NW * nb, 1, SEG_B)
    return pl.pallas_call(
        _seg_body,
        grid_spec=grid_spec,
        out_shape=jax.ShapeDtypeStruct((N_CENTER, ACCW), jnp.float32),
    )(counts, slots3, rows)


def _head_body(agg_ref, x0c_ref, pos_ref, eps_ref, ie_ref, wg1_ref, bg1_ref,
               wg2_ref, bg2_ref, w1_ref, b1_ref, w2_ref, b2_ref, o_ref):
    eps = eps_ref[0, 0]
    aggsum = agg_ref[...]
    col = lax.broadcasted_iota(jnp.int32, (N_CENTER, N_CENTER), 1)
    perm = (pos_ref[...] == col).astype(jnp.float32)
    cagg = jnp.dot(perm, aggsum, preferred_element_type=jnp.float32,
                   precision=lax.Precision.HIGHEST)
    x0c = x0c_ref[...]
    hp_tail = (1.0 + eps) * x0c[:, :D_HID] + cagg[:, :D_HID]
    indeg = cagg[:, D_HID:D_HID + 1]
    hp_head = (1.0 + eps + indeg) * ie_ref[...]
    hp = jnp.concatenate([hp_head, hp_tail], axis=1)
    h = jnp.dot(hp, wg1_ref[...], preferred_element_type=jnp.float32)
    h = jnp.maximum(h + bg1_ref[...], 0.0)
    enc = jnp.dot(h, wg2_ref[...], preferred_element_type=jnp.float32)
    enc = enc + bg2_ref[...]
    o = jnp.dot(enc, w1_ref[...], preferred_element_type=jnp.float32)
    o = jnp.maximum(o + b1_ref[...], 0.0)
    o_ref[...] = jnp.dot(o, w2_ref[...],
                         preferred_element_type=jnp.float32) + b2_ref[...]


def _head(agg2, x0c, pos, eps, ie, Wg1, bg1, Wg2, bg2, W1, b1, W2, b2):
    return pl.pallas_call(
        _head_body,
        out_shape=jax.ShapeDtypeStruct((N_CENTER, 1), jnp.float32),
    )(agg2, x0c, pos, eps, ie, Wg1, bg1, Wg2, bg2, W1, b1, W2, b2)


def kernel(x, edge_index, center_node_index, W0, b0, initial_embed, eps,
           Wg1, bg1, Wg2, bg2, W1, b1, W2, b2):
    src = edge_index[0].astype(jnp.int32)
    dst = edge_index[1].astype(jnp.int32)
    cen = center_node_index.astype(jnp.int32)
    src_p = jnp.pad(src, (0, E_PAD - N_EDGES))
    dst_p = jnp.pad(dst, (0, E_PAD - N_EDGES), constant_values=N_NODES)

    x0aug = _x0aug(x, W0, b0.reshape(1, -1))
    rows_g, slots_g, counts16, x0c, pos = _sc_aggregate(src_p, dst_p, cen, x0aug)
    agg = _seg_sum(counts16[:, 0], slots_g, rows_g)
    out = _head(agg, x0c, pos.reshape(-1, 1),
                eps.reshape(1, 1), initial_embed.reshape(1, -1),
                Wg1, bg1.reshape(1, -1), Wg2, bg2.reshape(1, -1),
                W1, b1.reshape(1, -1), W2, b2.reshape(1, 1))
    return out

# --- scband reference (transcript-rebuilt; emitter-appended) ---
"""Pipeline reference for scband-critic-82059645157489 (READ-ONLY COPY).

The authoritative reference and input builder live on the scoring server;
editing this copy changes nothing except your own understanding.
"""

import jax, jax.numpy as jnp
import numpy as np

N_NODES = 10000
N_EDGES = 160000
D_FEAT = 256
D_HID = 512
N_CENTER = 1024


def setup_inputs(seed: int = 0) -> dict:
    key = jax.random.key(seed)
    ks = jax.random.split(key, 16)
    x = jax.random.normal(ks[0], (N_NODES, D_FEAT), dtype=jnp.float32)
    edge_index = jax.random.randint(ks[1], (2, N_EDGES), 0, N_NODES, dtype=jnp.int64)
    center_node_index = jax.random.randint(ks[2], (N_CENTER,), 0, N_NODES, dtype=jnp.int64)
    d2 = D_HID * 2
    # linear0: num_features -> num_hidden
    W0 = jax.random.normal(ks[3], (D_FEAT, D_HID), dtype=jnp.float32) * (1.0 / np.sqrt(D_FEAT))
    b0 = jnp.zeros((D_HID,), dtype=jnp.float32)
    initial_embed = jax.random.normal(ks[4], (D_HID,), dtype=jnp.float32)
    # GIN layer on 2*num_hidden features: MLP Linear-ReLU-Linear, plus eps
    Wg1 = jax.random.normal(ks[5], (d2, d2), dtype=jnp.float32) * (1.0 / np.sqrt(d2))
    bg1 = jnp.zeros((d2,), dtype=jnp.float32)
    Wg2 = jax.random.normal(ks[6], (d2, d2), dtype=jnp.float32) * (1.0 / np.sqrt(d2))
    bg2 = jnp.zeros((d2,), dtype=jnp.float32)
    eps = jnp.zeros((), dtype=jnp.float32)
    # linear1: 2*num_hidden -> num_hidden
    W1 = jax.random.normal(ks[7], (d2, D_HID), dtype=jnp.float32) * (1.0 / np.sqrt(d2))
    b1 = jnp.zeros((D_HID,), dtype=jnp.float32)
    # linear2: num_hidden -> 1
    W2 = jax.random.normal(ks[8], (D_HID, 1), dtype=jnp.float32) * (1.0 / np.sqrt(D_HID))
    b2 = jnp.zeros((1,), dtype=jnp.float32)
    return {"x": x, "edge_index": edge_index, "center_node_index": center_node_index,
            "W0": W0, "b0": b0, "initial_embed": initial_embed, "eps": eps,
            "Wg1": Wg1, "bg1": bg1, "Wg2": Wg2, "bg2": bg2,
            "W1": W1, "b1": b1, "W2": W2, "b2": b2}


def reference(x, edge_index, center_node_index, W0, b0, initial_embed, eps,
              Wg1, bg1, Wg2, bg2, W1, b1, W2, b2):
    n = x.shape[0]
    # x0 = linear0(data.x)
    x0 = x @ W0 + b0
    # x_in = cat([initial_embed.repeat(n, 1), x0], dim=1)
    x_in = jnp.concatenate([jnp.tile(initial_embed[None, :], (n, 1)), x0], axis=1)
    # GIN conv: h = MLP((1 + eps) * x_in + sum_{j in N(i)} x_in[j])
    src = edge_index[0]
    dst = edge_index[1]
    msgs = jnp.take(x_in, src, axis=0)
    agg = jax.ops.segment_sum(msgs, dst, num_segments=n)
    h = (1.0 + eps) * x_in + agg
    h = jax.nn.relu(h @ Wg1 + bg1)
    enc_out = h @ Wg2 + bg2
    # center node readout
    center = jnp.take(enc_out, center_node_index, axis=0)
    out = jax.nn.relu(center @ W1 + b1)
    out = out @ W2 + b2
    return out

if __name__ == "__main__":
    import jax
    _d = setup_inputs()
    print(jax.jit(kernel)(*tuple(_d.values())))

</pallas_src>

<mosaic_0001>
#map = affine_map<(d0, d1) -> (0)>
#map1 = affine_map<(d0, d1) -> (0, 0)>
#map2 = affine_map<(d0, d1) -> (0, 0, 0)>
module attributes {stable_mosaic.version = 14 : i64} {
  func.func @_sc_body(%arg0: i32, %arg1: i32, %arg2: memref<160256xi32, #tpu.memory_space<hbm>>, %arg3: memref<160256xi32, #tpu.memory_space<hbm>>, %arg4: memref<1024xi32, #tpu.memory_space<hbm>>, %arg5: memref<10000x512xf32, #tpu.memory_space<hbm>>, %arg6: memref<32x5120x512xf32, #tpu.memory_space<hbm>>, %arg7: memref<32x5120xi32, #tpu.memory_space<hbm>>, %arg8: memref<32x128xi32, #tpu.memory_space<hbm>>, %arg9: memref<1024x512xf32, #tpu.memory_space<hbm>>, %arg10: memref<1024xi32, #tpu.memory_space<hbm>>, %arg11: memref<10016xi32, #tpu.memory_space<vmem>>, %arg12: memref<1024xi32, #tpu.memory_space<vmem>>, %arg13: memref<5008xi32, #tpu.memory_space<vmem>>, %arg14: memref<5008xi32, #tpu.memory_space<vmem>>, %arg15: memref<5120xi32, #tpu.memory_space<vmem>>, %arg16: memref<5120xi32, #tpu.memory_space<vmem>>, %arg17: memref<64xi32, #tpu.memory_space<vmem>>, %arg18: memref<64xi32, #tpu.memory_space<vmem>>, %arg19: memref<32xi32, #tpu.memory_space<vmem>>, %arg20: memref<64x512xf32, #tpu.memory_space<vmem>>, %arg21: memref<64x512xf32, #tpu.memory_space<vmem>>, %arg22: memref<128xi32, #tpu.memory_space<vmem>>, %arg23: memref<32xi32, #tpu.memory_space<vmem>>, %arg24: memref<!tpu.dma_semaphore, #tpu.memory_space<semaphore_mem>>, %arg25: memref<!tpu.dma_semaphore, #tpu.memory_space<semaphore_mem>>, %arg26: memref<!tpu.dma_semaphore, #tpu.memory_space<semaphore_mem>>) attributes {dimension_semantics = [#tpu.dimension_semantics<core_parallel>, #tpu.dimension_semantics<subcore_parallel>], iteration_bounds = array<i64: 2, 16>, scalar_prefetch = 0 : i64, scratch_operands = 16 : i64, tpu.core_type = #tpu.core_type<sc_vector_subcore>, window_params = [{transform_indices = #map}, {transform_indices = #map}, {transform_indices = #map}, {transform_indices = #map1}, {transform_indices = #map2}, {transform_indices = #map1}, {transform_indices = #map1}, {transform_indices = #map1}, {transform_indices = #map}]} {
    %mul3A = arith.constant 2 : i32
    %mul3A_0 = arith.muli %arg1, %mul3A : i32
    %add3A = arith.addi %mul3A_0, %arg0 : i32
    %mul3A_1 = arith.constant 5008 : i32
    %mul3A_2 = arith.muli %add3A, %mul3A_1 : i32
    "tpu.region"() ({
      %run_scoped3A = tpu.sem_alloc : memref<!tpu.dma_semaphore, #tpu.memory_space<semaphore_mem>>
      %dma_start3A_154 = tpu.memref_slice %arg2[%mul3A_2] : memref<160256xi32, #tpu.memory_space<hbm>> -> memref<5008xi32, #tpu.memory_space<hbm>>
      %dma_start3A_155 = tpu.memref_slice %arg2[%mul3A_2] : memref<160256xi32, #tpu.memory_space<hbm>> -> memref<5008xi32, #tpu.memory_space<hbm>>
      tpu.enqueue_dma source(%dma_start3A_155 : memref<5008xi32, #tpu.memory_space<hbm>>) target(%arg13 : memref<5008xi32, #tpu.memory_space<vmem>>) target_semaphore(%run_scoped3A : memref<!tpu.dma_semaphore, #tpu.memory_space<semaphore_mem>>)
      %dma_wait3A_156 = tpu.memref_slice %arg2[%mul3A_2] : memref<160256xi32, #tpu.memory_space<hbm>> -> memref<5008xi32, #tpu.memory_space<hbm>>
      %dma_wait3A_157 = tpu.memref_slice %arg2[%mul3A_2] : memref<160256xi32, #tpu.memory_space<hbm>> -> memref<5008xi32, #tpu.memory_space<hbm>>
      tpu.wait_dma2 semaphore(%run_scoped3A : memref<!tpu.dma_semaphore, #tpu.memory_space<semaphore_mem>>) src(%dma_wait3A_157 : memref<5008xi32, #tpu.memory_space<hbm>>) dst(%arg13 : memref<5008xi32, #tpu.memory_space<vmem>>)
      tpu.yield
    }) : () -> ()
    "tpu.region"() ({
      %run_scoped3A = tpu.sem_alloc : memref<!tpu.dma_semaphore, #tpu.memory_space<semaphore_mem>>
      %dma_start3A_154 = tpu.memref_slice %arg3[%mul3A_2] : memref<160256xi32, #tpu.memory_space<hbm>> -> memref<5008xi32, #tpu.memory_space<hbm>>
      %dma_start3A_155 = tpu.memref_slice %arg3[%mul3A_2] : memref<160256xi32, #tpu.memory_space<hbm>> -> memref<5008xi32, #tpu.memory_space<hbm>>
      tpu.enqueue_dma source(%dma_start3A_155 : memref<5008xi32, #tpu.memory_space<hbm>>) target(%arg14 : memref<5008xi32, #tpu.memory_space<vmem>>) target_semaphore(%run_scoped3A : memref<!tpu.dma_semaphore, #tpu.memory_space<semaphore_mem>>)
      %dma_wait3A_156 = tpu.memref_slice %arg3[%mul3A_2] : memref<160256xi32, #tpu.memory_space<hbm>> -> memref<5008xi32, #tpu.memory_space<hbm>>
      %dma_wait3A_157 = tpu.memref_slice %arg3[%mul3A_2] : memref<160256xi32, #tpu.memory_space<hbm>> -> memref<5008xi32, #tpu.memory_space<hbm>>
      tpu.wait_dma2 semaphore(%run_scoped3A : memref<!tpu.dma_semaphore, #tpu.memory_space<semaphore_mem>>) src(%dma_wait3A_157 : memref<5008xi32, #tpu.memory_space<hbm>>) dst(%arg14 : memref<5008xi32, #tpu.memory_space<vmem>>)
      tpu.yield
    }) : () -> ()
    "tpu.region"() ({
      %run_scoped3A = tpu.sem_alloc : memref<!tpu.dma_semaphore, #tpu.memory_space<semaphore_mem>>
      tpu.enqueue_dma source(%arg4 : memref<1024xi32, #tpu.memory_space<hbm>>) target(%arg12 : memref<1024xi32, #tpu.memory_space<vmem>>) target_semaphore(%run_scoped3A : memref<!tpu.dma_semaphore, #tpu.memory_space<semaphore_mem>>)
      tpu.wait_dma2 semaphore(%run_scoped3A : memref<!tpu.dma_semaphore, #tpu.memory_space<semaphore_mem>>) src(%arg4 : memref<1024xi32, #tpu.memory_space<hbm>>) dst(%arg12 : memref<1024xi32, #tpu.memory_space<vmem>>)
      tpu.yield
    }) : () -> ()
    %broadcast_in_dim3A = arith.constant 0 : i32
    %broadcast_in_dim3A_3 = vector.broadcast %broadcast_in_dim3A : i32 to vector<16xi32>
    %broadcast_in_dim3A_4 = arith.constant 1 : i32
    %broadcast_in_dim3A_5 = vector.broadcast %broadcast_in_dim3A_4 : i32 to vector<16xi32>
    %scan3A = arith.constant 0 : i32
    %scan3A_6 = arith.constant 0 : i32
    %scan3A_7 = arith.constant 626 : i32
    %scan3A_8 = arith.addi %scan3A_6, %scan3A_7 : i32
    %scan3A_9 = arith.constant 1 : i32
    scf.for %scan3A_154 = %scan3A_6 to %scan3A_8 step %scan3A_9  : i32 {
      %mul3A_155 = arith.constant 16 : i32
      %mul3A_156 = arith.muli %scan3A_154, %mul3A_155 : i32
      %swap3A_157 = arith.index_cast %mul3A_156 : i32 to index
      %swap3A_158 = tpu.vector_load %arg11[%swap3A_157] {strides = array<i32>} : memref<10016xi32, #tpu.memory_space<vmem>>, vector<16xi32>,
      tpu.vector_store %arg11[%swap3A_157], %broadcast_in_dim3A_3 {strides = array<i32>} : memref<10016xi32, #tpu.memory_space<vmem>>, vector<16xi32>,
    }
    %scan3A_10 = arith.constant 626 : i32
    %scan3A_11 = arith.constant 0 : i32
    %scan3A_12 = arith.constant 0 : i32
    %scan3A_13 = arith.constant 64 : i32
    %scan3A_14 = arith.addi %scan3A_12, %scan3A_13 : i32
    %scan3A_15 = arith.constant 1 : i32
    scf.for %scan3A_154 = %scan3A_12 to %scan3A_14 step %scan3A_15  : i32 {
      %mul3A_155 = arith.constant 16 : i32
      %mul3A_156 = arith.muli %scan3A_154, %mul3A_155 : i32
      %get3A_157 = arith.index_cast %mul3A_156 : i32 to index
      %get3A_158 = tpu.vector_load %arg12[%get3A_157] {strides = array<i32>} : memref<1024xi32, #tpu.memory_space<vmem>>, vector<16xi32>,
      tpu.vector_store_idx %arg11[%get3A_158], %broadcast_in_dim3A_5 : memref<10016xi32, #tpu.memory_space<vmem>>[vector<16xi32>], vector<16xi32>,
    }
    %scan3A_16 = arith.constant 64 : i32
    %scan3A_17 = arith.constant 0 : i32
    %scan3A_18 = arith.constant 0 : i32
    %scan3A_19 = arith.constant 626 : i32
    %scan3A_20 = arith.addi %scan3A_18, %scan3A_19 : i32
    %scan3A_21 = arith.constant 1 : i32
    %scan3A_22 = scf.for %scan3A_154 = %scan3A_18 to %scan3A_20 step %scan3A_21 iter_args(%scan3A_155 = %scan3A_17) -> (i32)  : i32 {
      %mul3A_156 = arith.constant 16 : i32
      %mul3A_157 = arith.muli %scan3A_154, %mul3A_156 : i32
      %get3A_158 = arith.index_cast %mul3A_157 : i32 to index
      %get3A_159 = tpu.vector_load %arg11[%get3A_158] {strides = array<i32>} : memref<10016xi32, #tpu.memory_space<vmem>>, vector<16xi32>,
      %broadcast_in_dim3A_160 = arith.constant true
      %broadcast_in_dim3A_161 = vector.broadcast %broadcast_in_dim3A_160 : i1 to vector<16xi1>
      %masked_cumsum3A = tpu.scan <sum>, %get3A_159 masked %broadcast_in_dim3A_161 : vector<16xi32>, vector<16xi1> -> vector<16xi32>
      %add3A_162 = vector.broadcast %scan3A_155 : i32 to vector<16xi32>
      %add3A_163 = arith.addi %add3A_162, %masked_cumsum3A : vector<16xi32>
      %sub3A_164 = arith.subi %add3A_163, %get3A_159 : vector<16xi32>
      %gt3A = arith.constant 0 : i32
      %gt3A_165 = vector.broadcast %gt3A : i32 to vector<16xi32>
      %gt3A_166 = arith.cmpi sgt, %get3A_159, %gt3A_165 : vector<16xi32>
      %jit3A_167 = arith.constant -1 : i32
      %broadcast_in_dim3A_168 = vector.broadcast %jit3A_167 : i32 to vector<16xi32>
      %select_n3A_169 = arith.select %gt3A_166, %sub3A_164, %broadcast_in_dim3A_168 : vector<16xi1>, vector<16xi32>
      %mul3A_170 = arith.constant 16 : i32
      %mul3A_171 = arith.muli %scan3A_154, %mul3A_170 : i32
      %swap3A_172 = arith.index_cast %mul3A_171 : i32 to index
      %swap3A_173 = tpu.vector_load %arg11[%swap3A_172] {strides = array<i32>} : memref<10016xi32, #tpu.memory_space<vmem>>, vector<16xi32>,
      tpu.vector_store %arg11[%swap3A_172], %select_n3A_169 {strides = array<i32>} : memref<10016xi32, #tpu.memory_space<vmem>>, vector<16xi32>,
      %slice3A = vector.extract_strided_slice %masked_cumsum3A {offsets = [15], sizes = [1], strides = [1]} : vector<16xi32> to vector<1xi32>
      %squeeze3A = vector.extract %slice3A[0] : i32 from vector<1xi32>
      %add3A_174 = arith.addi %scan3A_155, %squeeze3A : i32
      scf.yield %add3A_174 : i32
    }
    %scan3A_23 = arith.constant 626 : i32
    %broadcast_in_dim3A_24 = arith.constant 1024 : i32
    %broadcast_in_dim3A_25 = vector.broadcast %broadcast_in_dim3A_24 : i32 to vector<16xi32>
    %scan3A_26 = arith.constant 0 : i32
    %scan3A_27 = arith.constant 0 : i32
    %scan3A_28 = arith.constant 320 : i32
    %scan3A_29 = arith.addi %scan3A_27, %scan3A_28 : i32
    %scan3A_30 = arith.constant 1 : i32
    scf.for %scan3A_154 = %scan3A_27 to %scan3A_29 step %scan3A_30  : i32 {
      %mul3A_155 = arith.constant 16 : i32
      %mul3A_156 = arith.muli %scan3A_154, %mul3A_155 : i32
      %swap3A_157 = arith.index_cast %mul3A_156 : i32 to index
      %swap3A_158 = tpu.vector_load %arg15[%swap3A_157] {strides = array<i32>} : memref<5120xi32, #tpu.memory_space<vmem>>, vector<16xi32>,
      tpu.vector_store %arg15[%swap3A_157], %broadcast_in_dim3A_3 {strides = array<i32>} : memref<5120xi32, #tpu.memory_space<vmem>>, vector<16xi32>,
      %mul3A_159 = arith.constant 16 : i32
      %mul3A_160 = arith.muli %scan3A_154, %mul3A_159 : i32
      %swap3A_161 = arith.index_cast %mul3A_160 : i32 to index
      %swap3A_162 = tpu.vector_load %arg16[%swap3A_161] {strides = array<i32>} : memref<5120xi32, #tpu.memory_space<vmem>>, vector<16xi32>,
      tpu.vector_store %arg16[%swap3A_161], %broadcast_in_dim3A_25 {strides = array<i32>} : memref<5120xi32, #tpu.memory_space<vmem>>, vector<16xi32>,
    }
    %scan3A_31 = arith.constant 320 : i32
    %scan3A_32 = arith.constant 0 : i32
    %scan3A_33 = arith.constant 0 : i32
    %scan3A_34 = arith.constant 313 : i32
    %scan3A_35 = arith.addi %scan3A_33, %scan3A_34 : i32
    %scan3A_36 = arith.constant 1 : i32
    %scan3A_37 = scf.for %scan3A_154 = %scan3A_33 to %scan3A_35 step %scan3A_36 iter_args(%scan3A_155 = %scan3A_32) -> (i32)  : i32 {
      %mul3A_156 = arith.constant 16 : i32
      %mul3A_157 = arith.muli %scan3A_154, %mul3A_156 : i32
      %get3A_158 = arith.index_cast %mul3A_157 : i32 to index
      %get3A_159 = tpu.vector_load %arg14[%get3A_158] {strides = array<i32>} : memref<5008xi32, #tpu.memory_space<vmem>>, vector<16xi32>,
      %gather3A_160 = tpu.vector_load_idx %arg11[%get3A_159] : memref<10016xi32, #tpu.memory_space<vmem>>[vector<16xi32>], vector<16xi32>,
      %ge3A_161 = arith.constant 0 : i32
      %ge3A_162 = vector.broadcast %ge3A_161 : i32 to vector<16xi32>
      %ge3A_163 = arith.cmpi sge, %gather3A_160, %ge3A_162 : vector<16xi32>
      %mul3A_164 = arith.constant 16 : i32
      %mul3A_165 = arith.muli %scan3A_154, %mul3A_164 : i32
      %get3A_166 = arith.index_cast %mul3A_165 : i32 to index
      %get3A_167 = tpu.vector_load %arg13[%get3A_166] {strides = array<i32>} : memref<5008xi32, #tpu.memory_space<vmem>>, vector<16xi32>,
      %convert_element_type3A_168 = arith.extui %ge3A_163 : vector<16xi1> to vector<16xi32>
      %broadcast_in_dim3A_169 = arith.constant true
      %broadcast_in_dim3A_170 = vector.broadcast %broadcast_in_dim3A_169 : i1 to vector<16xi1>
      %masked_cumsum3A = tpu.scan <sum>, %convert_element_type3A_168 masked %broadcast_in_dim3A_170 : vector<16xi32>, vector<16xi1> -> vector<16xi32>
      %sub3A_171 = arith.constant 1 : i32
      %sub3A_172 = vector.broadcast %sub3A_171 : i32 to vector<16xi32>
      %sub3A_173 = arith.subi %masked_cumsum3A, %sub3A_172 : vector<16xi32>
      %add3A_174 = vector.broadcast %scan3A_155 : i32 to vector<16xi32>
      %add3A_175 = arith.addi %sub3A_173, %add3A_174 : vector<16xi32>
      tpu.vector_store_idx %arg15[%add3A_175], %get3A_167 masked %ge3A_163 : memref<5120xi32, #tpu.memory_space<vmem>>[vector<16xi32>], vector<16xi32>, vector<16xi1>
      tpu.vector_store_idx %arg16[%add3A_175], %gather3A_160 masked %ge3A_163 : memref<5120xi32, #tpu.memory_space<vmem>>[vector<16xi32>], vector<16xi32>, vector<16xi1>
      %slice3A = vector.extract_strided_slice %masked_cumsum3A {offsets = [15], sizes = [1], strides = [1]} : vector<16xi32> to vector<1xi32>
      %squeeze3A = vector.extract %slice3A[0] : i32 from vector<1xi32>
      %add3A_176 = arith.addi %scan3A_155, %squeeze3A : i32
      scf.yield %add3A_176 : i32
    }
    %scan3A_38 = arith.constant 313 : i32
    %add3A_39 = arith.constant 63 : i32
    %add3A_40 = arith.addi %scan3A_37, %add3A_39 : i32
    %jit3A = arith.constant 64 : i32
    %div3A = arith.divsi %add3A_40, %jit3A : i32
    %sign3A = arith.constant 0 : i32
    %sign3A_41 = arith.cmpi sgt, %add3A_40, %sign3A : i32
    %sign3A_42 = arith.extui %sign3A_41 : i1 to i32
    %sign3A_43 = arith.constant 0 : i32
    %sign3A_44 = arith.cmpi slt, %add3A_40, %sign3A_43 : i32
    %sign3A_45 = arith.extui %sign3A_44 : i1 to i32
    %sign3A_46 = arith.subi %sign3A_42, %sign3A_45 : i32
    %sign3A_47 = arith.constant 0 : i32
    %sign3A_48 = arith.cmpi sgt, %jit3A, %sign3A_47 : i32
    %sign3A_49 = arith.extui %sign3A_48 : i1 to i32
    %sign3A_50 = arith.constant 0 : i32
    %sign3A_51 = arith.cmpi slt, %jit3A, %sign3A_50 : i32
    %sign3A_52 = arith.extui %sign3A_51 : i1 to i32
    %sign3A_53 = arith.subi %sign3A_49, %sign3A_52 : i32
    %ne3A = arith.cmpi ne, %sign3A_46, %sign3A_53 : i32
    %rem3A = arith.remsi %add3A_40, %jit3A : i32
    %ne3A_54 = arith.constant 0 : i32
    %ne3A_55 = arith.cmpi ne, %rem3A, %ne3A_54 : i32
    %and3A = arith.andi %ne3A, %ne3A_55 : i1
    %sub3A = arith.constant 1 : i32
    %sub3A_56 = arith.subi %div3A, %sub3A : i32
    %select_n3A = arith.select %and3A, %sub3A_56, %div3A : i32
    %add3A_57 = arith.constant 1 : i32
    %add3A_58 = arith.addi %select_n3A, %add3A_57 : i32
    %jit3A_59 = arith.constant 2 : i32
    %div3A_60 = arith.divsi %add3A_58, %jit3A_59 : i32
    %sign3A_61 = arith.constant 0 : i32
    %sign3A_62 = arith.cmpi sgt, %add3A_58, %sign3A_61 : i32
    %sign3A_63 = arith.extui %sign3A_62 : i1 to i32
    %sign3A_64 = arith.constant 0 : i32
    %sign3A_65 = arith.cmpi slt, %add3A_58, %sign3A_64 : i32
    %sign3A_66 = arith.extui %sign3A_65 : i1 to i32
    %sign3A_67 = arith.subi %sign3A_63, %sign3A_66 : i32
    %sign3A_68 = arith.constant 0 : i32
    %sign3A_69 = arith.cmpi sgt, %jit3A_59, %sign3A_68 : i32
    %sign3A_70 = arith.extui %sign3A_69 : i1 to i32
    %sign3A_71 = arith.constant 0 : i32
    %sign3A_72 = arith.cmpi slt, %jit3A_59, %sign3A_71 : i32
    %sign3A_73 = arith.extui %sign3A_72 : i1 to i32
    %sign3A_74 = arith.subi %sign3A_70, %sign3A_73 : i32
    %ne3A_75 = arith.cmpi ne, %sign3A_67, %sign3A_74 : i32
    %rem3A_76 = arith.remsi %add3A_58, %jit3A_59 : i32
    %ne3A_77 = arith.constant 0 : i32
    %ne3A_78 = arith.cmpi ne, %rem3A_76, %ne3A_77 : i32
    %and3A_79 = arith.andi %ne3A_75, %ne3A_78 : i1
    %sub3A_80 = arith.constant 1 : i32
    %sub3A_81 = arith.subi %div3A_60, %sub3A_80 : i32
    %select_n3A_82 = arith.select %and3A_79, %sub3A_81, %div3A_60 : i32
    %while3A = arith.constant 0 : i32
    %while3A_83 = arith.constant 0 : i32
    %while3A_84 = arith.subi %select_n3A_82, %while3A_83 : i32
    %while3A_85 = arith.addi %while3A_83, %while3A_84 : i32
    %while3A_86 = arith.constant 1 : i32
    %while3A_87 = arith.divsi %while3A_84, %while3A_86 : i32
    %while3A_88 = arith.muli %while3A_87, %while3A_86 : i32
    %while3A_89 = arith.addi %while3A_83, %while3A_88 : i32
    %while3A_90 = arith.constant 1 : i32
    scf.for %while3A_154 = %while3A_83 to %while3A_89 step %while3A_90  : i32 {
      %mul3A_155 = arith.constant 2 : i32
      %mul3A_156 = arith.muli %while3A_154, %mul3A_155 : i32
      %add3A_157 = arith.constant 0 : i32
      %add3A_158 = arith.addi %mul3A_156, %add3A_157 : i32
      %lt3A = arith.cmpi slt, %add3A_158, %select_n3A : i32
      %convert_element_type3A_159 = arith.extui %lt3A : i1 to i32
      %cond3A_160 = arith.constant 0 : i32
      %cond3A_161 = arith.cmpi ne, %convert_element_type3A_159, %cond3A_160 : i32
      scf.if %cond3A_161 {
        %mul3A_170 = arith.constant 64 : i32
        %mul3A_171 = arith.muli %add3A_158, %mul3A_170 : i32
        %ge3A_172 = arith.constant 2 : i32
        %ge3A_173 = arith.cmpi sge, %add3A_158, %ge3A_172 : i32
        %convert_element_type3A_174 = arith.extui %ge3A_173 : i1 to i32
        %cond3A_175 = arith.constant 0 : i32
        %cond3A_176 = arith.cmpi ne, %convert_element_type3A_174, %cond3A_175 : i32
        scf.if %cond3A_176 {
          %dma_wait3A_219 = arith.constant 0 : i32
          %dma_wait3A_220 = arith.constant 0 : i32
          %dma_wait3A_221 = tpu.memref_slice %arg6[%add3A, %dma_wait3A_219, %dma_wait3A_220] : memref<32x5120x512xf32, #tpu.memory_space<hbm>> -> memref<1x5120x512xf32, #tpu.memory_space<hbm>>
          %dma_wait3A_222 = tpu.memref_squeeze %dma_wait3A_221 : memref<1x5120x512xf32, #tpu.memory_space<hbm>> -> memref<5120x512xf32, #tpu.memory_space<hbm>>
          %dma_wait3A_223 = arith.constant 0 : i32
          %dma_wait3A_224 = arith.constant 0 : i32
          %dma_wait3A_225 = tpu.memref_slice %dma_wait3A_222[%dma_wait3A_223, %dma_wait3A_224] : memref<5120x512xf32, #tpu.memory_space<hbm>> -> memref<64x512xf32, #tpu.memory_space<hbm>>
          %dma_wait3A_226 = arith.constant 0 : i32
          %dma_wait3A_227 = arith.constant 0 : i32
          %dma_wait3A_228 = tpu.memref_slice %arg6[%add3A, %dma_wait3A_226, %dma_wait3A_227] : memref<32x5120x512xf32, #tpu.memory_space<hbm>> -> memref<1x5120x512xf32, #tpu.memory_space<hbm>>
          %dma_wait3A_229 = tpu.memref_squeeze %dma_wait3A_228 : memref<1x5120x512xf32, #tpu.memory_space<hbm>> -> memref<5120x512xf32, #tpu.memory_space<hbm>>
          %dma_wait3A_230 = arith.constant 0 : i32
          %dma_wait3A_231 = arith.constant 0 : i32
          %dma_wait3A_232 = tpu.memref_slice %dma_wait3A_229[%dma_wait3A_230, %dma_wait3A_231] : memref<5120x512xf32, #tpu.memory_space<hbm>> -> memref<64x512xf32, #tpu.memory_space<hbm>>
          tpu.wait_dma2 semaphore(%arg25 : memref<!tpu.dma_semaphore, #tpu.memory_space<semaphore_mem>>) src(%arg20 : memref<64x512xf32, #tpu.memory_space<vmem>>) dst(%dma_wait3A_232 : memref<64x512xf32, #tpu.memory_space<hbm>>)
        } else {
        }
        %add3A_177 = arith.constant 0 : i32
        %add3A_178 = arith.addi %mul3A_171, %add3A_177 : i32
        %get3A_179 = arith.index_cast %add3A_178 : i32 to index
        %get3A_180 = tpu.vector_load %arg15[%get3A_179] {strides = array<i32>} : memref<5120xi32, #tpu.memory_space<vmem>>, vector<16xi32>,
        %swap3A_181 = arith.constant 0 : index
        %swap3A_182 = tpu.vector_load %arg17[%swap3A_181] {strides = array<i32>} : memref<64xi32, #tpu.memory_space<vmem>>, vector<16xi32>,
        tpu.vector_store %arg17[%swap3A_181], %get3A_180 {strides = array<i32>} : memref<64xi32, #tpu.memory_space<vmem>>, vector<16xi32>,
        %add3A_183 = arith.constant 16 : i32
        %add3A_184 = arith.addi %mul3A_171, %add3A_183 : i32
        %get3A_185 = arith.index_cast %add3A_184 : i32 to index
        %get3A_186 = tpu.vector_load %arg15[%get3A_185] {strides = array<i32>} : memref<5120xi32, #tpu.memory_space<vmem>>, vector<16xi32>,
        %swap3A_187 = arith.constant 16 : index
        %swap3A_188 = tpu.vector_load %arg17[%swap3A_187] {strides = array<i32>} : memref<64xi32, #tpu.memory_space<vmem>>, vector<16xi32>,
        tpu.vector_store %arg17[%swap3A_187], %get3A_186 {strides = array<i32>} : memref<64xi32, #tpu.memory_space<vmem>>, vector<16xi32>,
        %add3A_189 = arith.constant 32 : i32
        %add3A_190 = arith.addi %mul3A_171, %add3A_189 : i32
        %get3A_191 = arith.index_cast %add3A_190 : i32 to index
        %get3A_192 = tpu.vector_load %arg15[%get3A_191] {strides = array<i32>} : memref<5120xi32, #tpu.memory_space<vmem>>, vector<16xi32>,
        %swap3A_193 = arith.constant 32 : index
        %swap3A_194 = tpu.vector_load %arg17[%swap3A_193] {strides = array<i32>} : memref<64xi32, #tpu.memory_space<vmem>>, vector<16xi32>,
        tpu.vector_store %arg17[%swap3A_193], %get3A_192 {strides = array<i32>} : memref<64xi32, #tpu.memory_space<vmem>>, vector<16xi32>,
        %add3A_195 = arith.constant 48 : i32
        %add3A_196 = arith.addi %mul3A_171, %add3A_195 : i32
        %get3A_197 = arith.index_cast %add3A_196 : i32 to index
        %get3A_198 = tpu.vector_load %arg15[%get3A_197] {strides = array<i32>} : memref<5120xi32, #tpu.memory_space<vmem>>, vector<16xi32>,
        %swap3A_199 = arith.constant 48 : index
        %swap3A_200 = tpu.vector_load %arg17[%swap3A_199] {strides = array<i32>} : memref<64xi32, #tpu.memory_space<vmem>>, vector<16xi32>,
        tpu.vector_store %arg17[%swap3A_199], %get3A_198 {strides = array<i32>} : memref<64xi32, #tpu.memory_space<vmem>>, vector<16xi32>,
        %dma_start3A_201 = arith.constant 0 : i32
        %dma_start3A_202 = arith.constant 0 : i32
        %dma_start3A_203 = tpu.memref_slice %arg5[%dma_start3A_201, %dma_start3A_202] : memref<10000x512xf32, #tpu.memory_space<hbm>> -> memref<10000x512xf32, #tpu.memory_space<hbm>>
        tpu.enqueue_indirect_dma source(%dma_start3A_203 : memref<10000x512xf32, #tpu.memory_space<hbm>>) target(%arg20 : memref<64x512xf32, #tpu.memory_space<vmem>>) offsets(%arg17 : memref<64xi32, #tpu.memory_space<vmem>>) semaphore(%arg24 : memref<!tpu.dma_semaphore, #tpu.memory_space<semaphore_mem>>)
        %dma_wait3A_204 = arith.constant 0 : i32
        %dma_wait3A_205 = arith.constant 0 : i32
        %dma_wait3A_206 = tpu.memref_slice %arg5[%dma_wait3A_204, %dma_wait3A_205] : memref<10000x512xf32, #tpu.memory_space<hbm>> -> memref<10000x512xf32, #tpu.memory_space<hbm>>
        tpu.wait_indirect_dma semaphore(%arg24 : memref<!tpu.dma_semaphore, #tpu.memory_space<semaphore_mem>>) src(%dma_wait3A_206 : memref<10000x512xf32, #tpu.memory_space<hbm>>) dst(%arg20 : memref<64x512xf32, #tpu.memory_space<vmem>>)
        %dma_start3A_207 = arith.constant 0 : i32
        %dma_start3A_208 = arith.constant 0 : i32
        %dma_start3A_209 = tpu.memref_slice %arg6[%add3A, %dma_start3A_207, %dma_start3A_208] : memref<32x5120x512xf32, #tpu.memory_space<hbm>> -> memref<1x5120x512xf32, #tpu.memory_space<hbm>>
        %dma_start3A_210 = tpu.memref_squeeze %dma_start3A_209 : memref<1x5120x512xf32, #tpu.memory_space<hbm>> -> memref<5120x512xf32, #tpu.memory_space<hbm>>
        %dma_start3A_211 = arith.constant 0 : i32
        %dma_start3A_212 = tpu.memref_slice %dma_start3A_210[%mul3A_171, %dma_start3A_211] : memref<5120x512xf32, #tpu.memory_space<hbm>> -> memref<64x512xf32, #tpu.memory_space<hbm>>
        %dma_start3A_213 = arith.constant 0 : i32
        %dma_start3A_214 = arith.constant 0 : i32
        %dma_start3A_215 = tpu.memref_slice %arg6[%add3A, %dma_start3A_213, %dma_start3A_214] : memref<32x5120x512xf32, #tpu.memory_space<hbm>> -> memref<1x5120x512xf32, #tpu.memory_space<hbm>>
        %dma_start3A_216 = tpu.memref_squeeze %dma_start3A_215 : memref<1x5120x512xf32, #tpu.memory_space<hbm>> -> memref<5120x512xf32, #tpu.memory_space<hbm>>
        %dma_start3A_217 = arith.constant 0 : i32
        %dma_start3A_218 = tpu.memref_slice %dma_start3A_216[%mul3A_171, %dma_start3A_217] : memref<5120x512xf32, #tpu.memory_space<hbm>> -> memref<64x512xf32, #tpu.memory_space<hbm>>
        tpu.enqueue_dma source(%arg20 : memref<64x512xf32, #tpu.memory_space<vmem>>) target(%dma_start3A_218 : memref<64x512xf32, #tpu.memory_space<hbm>>) target_semaphore(%arg25 : memref<!tpu.dma_semaphore, #tpu.memory_space<semaphore_mem>>)
      } else {
      }
      %mul3A_162 = arith.constant 2 : i32
      %mul3A_163 = arith.muli %while3A_154, %mul3A_162 : i32
      %add3A_164 = arith.constant 1 : i32
      %add3A_165 = arith.addi %mul3A_163, %add3A_164 : i32
      %lt3A_166 = arith.cmpi slt, %add3A_165, %select_n3A : i32
      %convert_element_type3A_167 = arith.extui %lt3A_166 : i1 to i32
      %cond3A_168 = arith.constant 0 : i32
      %cond3A_169 = arith.cmpi ne, %convert_element_type3A_167, %cond3A_168 : i32
      scf.if %cond3A_169 {
        %mul3A_170 = arith.constant 64 : i32
        %mul3A_171 = arith.muli %add3A_165, %mul3A_170 : i32
        %ge3A_172 = arith.constant 2 : i32
        %ge3A_173 = arith.cmpi sge, %add3A_165, %ge3A_172 : i32
        %convert_element_type3A_174 = arith.extui %ge3A_173 : i1 to i32
        %cond3A_175 = arith.constant 0 : i32
        %cond3A_176 = arith.cmpi ne, %convert_element_type3A_174, %cond3A_175 : i32
        scf.if %cond3A_176 {
          %dma_wait3A_219 = arith.constant 0 : i32
          %dma_wait3A_220 = arith.constant 0 : i32
          %dma_wait3A_221 = tpu.memref_slice %arg6[%add3A, %dma_wait3A_219, %dma_wait3A_220] : memref<32x5120x512xf32, #tpu.memory_space<hbm>> -> memref<1x5120x512xf32, #tpu.memory_space<hbm>>
          %dma_wait3A_222 = tpu.memref_squeeze %dma_wait3A_221 : memref<1x5120x512xf32, #tpu.memory_space<hbm>> -> memref<5120x512xf32, #tpu.memory_space<hbm>>
          %dma_wait3A_223 = arith.constant 0 : i32
          %dma_wait3A_224 = arith.constant 0 : i32
          %dma_wait3A_225 = tpu.memref_slice %dma_wait3A_222[%dma_wait3A_223, %dma_wait3A_224] : memref<5120x512xf32, #tpu.memory_space<hbm>> -> memref<64x512xf32, #tpu.memory_space<hbm>>
          %dma_wait3A_226 = arith.constant 0 : i32
          %dma_wait3A_227 = arith.constant 0 : i32
          %dma_wait3A_228 = tpu.memref_slice %arg6[%add3A, %dma_wait3A_226, %dma_wait3A_227] : memref<32x5120x512xf32, #tpu.memory_space<hbm>> -> memref<1x5120x512xf32, #tpu.memory_space<hbm>>
          %dma_wait3A_229 = tpu.memref_squeeze %dma_wait3A_228 : memref<1x5120x512xf32, #tpu.memory_space<hbm>> -> memref<5120x512xf32, #tpu.memory_space<hbm>>
          %dma_wait3A_230 = arith.constant 0 : i32
          %dma_wait3A_231 = arith.constant 0 : i32
          %dma_wait3A_232 = tpu.memref_slice %dma_wait3A_229[%dma_wait3A_230, %dma_wait3A_231] : memref<5120x512xf32, #tpu.memory_space<hbm>> -> memref<64x512xf32, #tpu.memory_space<hbm>>
          tpu.wait_dma2 semaphore(%arg26 : memref<!tpu.dma_semaphore, #tpu.memory_space<semaphore_mem>>) src(%arg21 : memref<64x512xf32, #tpu.memory_space<vmem>>) dst(%dma_wait3A_232 : memref<64x512xf32, #tpu.memory_space<hbm>>)
        } else {
        }
        %add3A_177 = arith.constant 0 : i32
        %add3A_178 = arith.addi %mul3A_171, %add3A_177 : i32
        %get3A_179 = arith.index_cast %add3A_178 : i32 to index
        %get3A_180 = tpu.vector_load %arg15[%get3A_179] {strides = array<i32>} : memref<5120xi32, #tpu.memory_space<vmem>>, vector<16xi32>,
        %swap3A_181 = arith.constant 0 : index
        %swap3A_182 = tpu.vector_load %arg18[%swap3A_181] {strides = array<i32>} : memref<64xi32, #tpu.memory_space<vmem>>, vector<16xi32>,
        tpu.vector_store %arg18[%swap3A_181], %get3A_180 {strides = array<i32>} : memref<64xi32, #tpu.memory_space<vmem>>, vector<16xi32>,
        %add3A_183 = arith.constant 16 : i32
        %add3A_184 = arith.addi %mul3A_171, %add3A_183 : i32
        %get3A_185 = arith.index_cast %add3A_184 : i32 to index
        %get3A_186 = tpu.vector_load %arg15[%get3A_185] {strides = array<i32>} : memref<5120xi32, #tpu.memory_space<vmem>>, vector<16xi32>,
        %swap3A_187 = arith.constant 16 : index
        %swap3A_188 = tpu.vector_load %arg18[%swap3A_187] {strides = array<i32>} : memref<64xi32, #tpu.memory_space<vmem>>, vector<16xi32>,
        tpu.vector_store %arg18[%swap3A_187], %get3A_186 {strides = array<i32>} : memref<64xi32, #tpu.memory_space<vmem>>, vector<16xi32>,
        %add3A_189 = arith.constant 32 : i32
        %add3A_190 = arith.addi %mul3A_171, %add3A_189 : i32
        %get3A_191 = arith.index_cast %add3A_190 : i32 to index
        %get3A_192 = tpu.vector_load %arg15[%get3A_191] {strides = array<i32>} : memref<5120xi32, #tpu.memory_space<vmem>>, vector<16xi32>,
        %swap3A_193 = arith.constant 32 : index
        %swap3A_194 = tpu.vector_load %arg18[%swap3A_193] {strides = array<i32>} : memref<64xi32, #tpu.memory_space<vmem>>, vector<16xi32>,
        tpu.vector_store %arg18[%swap3A_193], %get3A_192 {strides = array<i32>} : memref<64xi32, #tpu.memory_space<vmem>>, vector<16xi32>,
        %add3A_195 = arith.constant 48 : i32
        %add3A_196 = arith.addi %mul3A_171, %add3A_195 : i32
        %get3A_197 = arith.index_cast %add3A_196 : i32 to index
        %get3A_198 = tpu.vector_load %arg15[%get3A_197] {strides = array<i32>} : memref<5120xi32, #tpu.memory_space<vmem>>, vector<16xi32>,
        %swap3A_199 = arith.constant 48 : index
        %swap3A_200 = tpu.vector_load %arg18[%swap3A_199] {strides = array<i32>} : memref<64xi32, #tpu.memory_space<vmem>>, vector<16xi32>,
        tpu.vector_store %arg18[%swap3A_199], %get3A_198 {strides = array<i32>} : memref<64xi32, #tpu.memory_space<vmem>>, vector<16xi32>,
        %dma_start3A_201 = arith.constant 0 : i32
        %dma_start3A_202 = arith.constant 0 : i32
        %dma_start3A_203 = tpu.memref_slice %arg5[%dma_start3A_201, %dma_start3A_202] : memref<10000x512xf32, #tpu.memory_space<hbm>> -> memref<10000x512xf32, #tpu.memory_space<hbm>>
        tpu.enqueue_indirect_dma source(%dma_start3A_203 : memref<10000x512xf32, #tpu.memory_space<hbm>>) target(%arg21 : memref<64x512xf32, #tpu.memory_space<vmem>>) offsets(%arg18 : memref<64xi32, #tpu.memory_space<vmem>>) semaphore(%arg24 : memref<!tpu.dma_semaphore, #tpu.memory_space<semaphore_mem>>)
        %dma_wait3A_204 = arith.constant 0 : i32
        %dma_wait3A_205 = arith.constant 0 : i32
        %dma_wait3A_206 = tpu.memref_slice %arg5[%dma_wait3A_204, %dma_wait3A_205] : memref<10000x512xf32, #tpu.memory_space<hbm>> -> memref<10000x512xf32, #tpu.memory_space<hbm>>
        tpu.wait_indirect_dma semaphore(%arg24 : memref<!tpu.dma_semaphore, #tpu.memory_space<semaphore_mem>>) src(%dma_wait3A_206 : memref<10000x512xf32, #tpu.memory_space<hbm>>) dst(%arg21 : memref<64x512xf32, #tpu.memory_space<vmem>>)
        %dma_start3A_207 = arith.constant 0 : i32
        %dma_start3A_208 = arith.constant 0 : i32
        %dma_start3A_209 = tpu.memref_slice %arg6[%add3A, %dma_start3A_207, %dma_start3A_208] : memref<32x5120x512xf32, #tpu.memory_space<hbm>> -> memref<1x5120x512xf32, #tpu.memory_space<hbm>>
        %dma_start3A_210 = tpu.memref_squeeze %dma_start3A_209 : memref<1x5120x512xf32, #tpu.memory_space<hbm>> -> memref<5120x512xf32, #tpu.memory_space<hbm>>
        %dma_start3A_211 = arith.constant 0 : i32
        %dma_start3A_212 = tpu.memref_slice %dma_start3A_210[%mul3A_171, %dma_start3A_211] : memref<5120x512xf32, #tpu.memory_space<hbm>> -> memref<64x512xf32, #tpu.memory_space<hbm>>
        %dma_start3A_213 = arith.constant 0 : i32
        %dma_start3A_214 = arith.constant 0 : i32
        %dma_start3A_215 = tpu.memref_slice %arg6[%add3A, %dma_start3A_213, %dma_start3A_214] : memref<32x5120x512xf32, #tpu.memory_space<hbm>> -> memref<1x5120x512xf32, #tpu.memory_space<hbm>>
        %dma_start3A_216 = tpu.memref_squeeze %dma_start3A_215 : memref<1x5120x512xf32, #tpu.memory_space<hbm>> -> memref<5120x512xf32, #tpu.memory_space<hbm>>
        %dma_start3A_217 = arith.constant 0 : i32
        %dma_start3A_218 = tpu.memref_slice %dma_start3A_216[%mul3A_171, %dma_start3A_217] : memref<5120x512xf32, #tpu.memory_space<hbm>> -> memref<64x512xf32, #tpu.memory_space<hbm>>
        tpu.enqueue_dma source(%arg21 : memref<64x512xf32, #tpu.memory_space<vmem>>) target(%dma_start3A_218 : memref<64x512xf32, #tpu.memory_space<hbm>>) target_semaphore(%arg26 : memref<!tpu.dma_semaphore, #tpu.memory_space<semaphore_mem>>)
      } else {
      }
    }
    %while3A_91 = arith.constant 1 : i32
    scf.for %while3A_154 = %while3A_89 to %while3A_85 step %while3A_91  : i32 {
      %mul3A_155 = arith.constant 2 : i32
      %mul3A_156 = arith.muli %while3A_154, %mul3A_155 : i32
      %add3A_157 = arith.constant 0 : i32
      %add3A_158 = arith.addi %mul3A_156, %add3A_157 : i32
      %lt3A = arith.cmpi slt, %add3A_158, %select_n3A : i32
      %convert_element_type3A_159 = arith.extui %lt3A : i1 to i32
      %cond3A_160 = arith.constant 0 : i32
      %cond3A_161 = arith.cmpi ne, %convert_element_type3A_159, %cond3A_160 : i32
      scf.if %cond3A_161 {
        %mul3A_170 = arith.constant 64 : i32
        %mul3A_171 = arith.muli %add3A_158, %mul3A_170 : i32
        %ge3A_172 = arith.constant 2 : i32
        %ge3A_173 = arith.cmpi sge, %add3A_158, %ge3A_172 : i32
        %convert_element_type3A_174 = arith.extui %ge3A_173 : i1 to i32
        %cond3A_175 = arith.constant 0 : i32
        %cond3A_176 = arith.cmpi ne, %convert_element_type3A_174, %cond3A_175 : i32
        scf.if %cond3A_176 {
          %dma_wait3A_219 = arith.constant 0 : i32
          %dma_wait3A_220 = arith.constant 0 : i32
          %dma_wait3A_221 = tpu.memref_slice %arg6[%add3A, %dma_wait3A_219, %dma_wait3A_220] : memref<32x5120x512xf32, #tpu.memory_space<hbm>> -> memref<1x5120x512xf32, #tpu.memory_space<hbm>>
          %dma_wait3A_222 = tpu.memref_squeeze %dma_wait3A_221 : memref<1x5120x512xf32, #tpu.memory_space<hbm>> -> memref<5120x512xf32, #tpu.memory_space<hbm>>
          %dma_wait3A_223 = arith.constant 0 : i32
          %dma_wait3A_224 = arith.constant 0 : i32
          %dma_wait3A_225 = tpu.memref_slice %dma_wait3A_222[%dma_wait3A_223, %dma_wait3A_224] : memref<5120x512xf32, #tpu.memory_space<hbm>> -> memref<64x512xf32, #tpu.memory_space<hbm>>
          %dma_wait3A_226 = arith.constant 0 : i32
          %dma_wait3A_227 = arith.constant 0 : i32
          %dma_wait3A_228 = tpu.memref_slice %arg6[%add3A, %dma_wait3A_226, %dma_wait3A_227] : memref<32x5120x512xf32, #tpu.memory_space<hbm>> -> memref<1x5120x512xf32, #tpu.memory_space<hbm>>
          %dma_wait3A_229 = tpu.memref_squeeze %dma_wait3A_228 : memref<1x5120x512xf32, #tpu.memory_space<hbm>> -> memref<5120x512xf32, #tpu.memory_space<hbm>>
          %dma_wait3A_230 = arith.constant 0 : i32
          %dma_wait3A_231 = arith.constant 0 : i32
          %dma_wait3A_232 = tpu.memref_slice %dma_wait3A_229[%dma_wait3A_230, %dma_wait3A_231] : memref<5120x512xf32, #tpu.memory_space<hbm>> -> memref<64x512xf32, #tpu.memory_space<hbm>>
          tpu.wait_dma2 semaphore(%arg25 : memref<!tpu.dma_semaphore, #tpu.memory_space<semaphore_mem>>) src(%arg20 : memref<64x512xf32, #tpu.memory_space<vmem>>) dst(%dma_wait3A_232 : memref<64x512xf32, #tpu.memory_space<hbm>>)
        } else {
        }
        %add3A_177 = arith.constant 0 : i32
        %add3A_178 = arith.addi %mul3A_171, %add3A_177 : i32
        %get3A_179 = arith.index_cast %add3A_178 : i32 to index
        %get3A_180 = tpu.vector_load %arg15[%get3A_179] {strides = array<i32>} : memref<5120xi32, #tpu.memory_space<vmem>>, vector<16xi32>,
        %swap3A_181 = arith.constant 0 : index
        %swap3A_182 = tpu.vector_load %arg17[%swap3A_181] {strides = array<i32>} : memref<64xi32, #tpu.memory_space<vmem>>, vector<16xi32>,
        tpu.vector_store %arg17[%swap3A_181], %get3A_180 {strides = array<i32>} : memref<64xi32, #tpu.memory_space<vmem>>, vector<16xi32>,
        %add3A_183 = arith.constant 16 : i32
        %add3A_184 = arith.addi %mul3A_171, %add3A_183 : i32
        %get3A_185 = arith.index_cast %add3A_184 : i32 to index
        %get3A_186 = tpu.vector_load %arg15[%get3A_185] {strides = array<i32>} : memref<5120xi32, #tpu.memory_space<vmem>>, vector<16xi32>,
        %swap3A_187 = arith.constant 16 : index
        %swap3A_188 = tpu.vector_load %arg17[%swap3A_187] {strides = array<i32>} : memref<64xi32, #tpu.memory_space<vmem>>, vector<16xi32>,
        tpu.vector_store %arg17[%swap3A_187], %get3A_186 {strides = array<i32>} : memref<64xi32, #tpu.memory_space<vmem>>, vector<16xi32>,
        %add3A_189 = arith.constant 32 : i32
        %add3A_190 = arith.addi %mul3A_171, %add3A_189 : i32
        %get3A_191 = arith.index_cast %add3A_190 : i32 to index
        %get3A_192 = tpu.vector_load %arg15[%get3A_191] {strides = array<i32>} : memref<5120xi32, #tpu.memory_space<vmem>>, vector<16xi32>,
        %swap3A_193 = arith.constant 32 : index
        %swap3A_194 = tpu.vector_load %arg17[%swap3A_193] {strides = array<i32>} : memref<64xi32, #tpu.memory_space<vmem>>, vector<16xi32>,
        tpu.vector_store %arg17[%swap3A_193], %get3A_192 {strides = array<i32>} : memref<64xi32, #tpu.memory_space<vmem>>, vector<16xi32>,
        %add3A_195 = arith.constant 48 : i32
        %add3A_196 = arith.addi %mul3A_171, %add3A_195 : i32
        %get3A_197 = arith.index_cast %add3A_196 : i32 to index
        %get3A_198 = tpu.vector_load %arg15[%get3A_197] {strides = array<i32>} : memref<5120xi32, #tpu.memory_space<vmem>>, vector<16xi32>,
        %swap3A_199 = arith.constant 48 : index
        %swap3A_200 = tpu.vector_load %arg17[%swap3A_199] {strides = array<i32>} : memref<64xi32, #tpu.memory_space<vmem>>, vector<16xi32>,
        tpu.vector_store %arg17[%swap3A_199], %get3A_198 {strides = array<i32>} : memref<64xi32, #tpu.memory_space<vmem>>, vector<16xi32>,
        %dma_start3A_201 = arith.constant 0 : i32
        %dma_start3A_202 = arith.constant 0 : i32
        %dma_start3A_203 = tpu.memref_slice %arg5[%dma_start3A_201, %dma_start3A_202] : memref<10000x512xf32, #tpu.memory_space<hbm>> -> memref<10000x512xf32, #tpu.memory_space<hbm>>
        tpu.enqueue_indirect_dma source(%dma_start3A_203 : memref<10000x512xf32, #tpu.memory_space<hbm>>) target(%arg20 : memref<64x512xf32, #tpu.memory_space<vmem>>) offsets(%arg17 : memref<64xi32, #tpu.memory_space<vmem>>) semaphore(%arg24 : memref<!tpu.dma_semaphore, #tpu.memory_space<semaphore_mem>>)
        %dma_wait3A_204 = arith.constant 0 : i32
        %dma_wait3A_205 = arith.constant 0 : i32
        %dma_wait3A_206 = tpu.memref_slice %arg5[%dma_wait3A_204, %dma_wait3A_205] : memref<10000x512xf32, #tpu.memory_space<hbm>> -> memref<10000x512xf32, #tpu.memory_space<hbm>>
        tpu.wait_indirect_dma semaphore(%arg24 : memref<!tpu.dma_semaphore, #tpu.memory_space<semaphore_mem>>) src(%dma_wait3A_206 : memref<10000x512xf32, #tpu.memory_space<hbm>>) dst(%arg20 : memref<64x512xf32, #tpu.memory_space<vmem>>)
        %dma_start3A_207 = arith.constant 0 : i32
        %dma_start3A_208 = arith.constant 0 : i32
        %dma_start3A_209 = tpu.memref_slice %arg6[%add3A, %dma_start3A_207, %dma_start3A_208] : memref<32x5120x512xf32, #tpu.memory_space<hbm>> -> memref<1x5120x512xf32, #tpu.memory_space<hbm>>
        %dma_start3A_210 = tpu.memref_squeeze %dma_start3A_209 : memref<1x5120x512xf32, #tpu.memory_space<hbm>> -> memref<5120x512xf32, #tpu.memory_space<hbm>>
        %dma_start3A_211 = arith.constant 0 : i32
        %dma_start3A_212 = tpu.memref_slice %dma_start3A_210[%mul3A_171, %dma_start3A_211] : memref<5120x512xf32, #tpu.memory_space<hbm>> -> memref<64x512xf32, #tpu.memory_space<hbm>>
        %dma_start3A_213 = arith.constant 0 : i32
        %dma_start3A_214 = arith.constant 0 : i32
        %dma_start3A_215 = tpu.memref_slice %arg6[%add3A, %dma_start3A_213, %dma_start3A_214] : memref<32x5120x512xf32, #tpu.memory_space<hbm>> -> memref<1x5120x512xf32, #tpu.memory_space<hbm>>
        %dma_start3A_216 = tpu.memref_squeeze %dma_start3A_215 : memref<1x5120x512xf32, #tpu.memory_space<hbm>> -> memref<5120x512xf32, #tpu.memory_space<hbm>>
        %dma_start3A_217 = arith.constant 0 : i32
        %dma_start3A_218 = tpu.memref_slice %dma_start3A_216[%mul3A_171, %dma_start3A_217] : memref<5120x512xf32, #tpu.memory_space<hbm>> -> memref<64x512xf32, #tpu.memory_space<hbm>>
        tpu.enqueue_dma source(%arg20 : memref<64x512xf32, #tpu.memory_space<vmem>>) target(%dma_start3A_218 : memref<64x512xf32, #tpu.memory_space<hbm>>) target_semaphore(%arg25 : memref<!tpu.dma_semaphore, #tpu.memory_space<semaphore_mem>>)
      } else {
      }
      %mul3A_162 = arith.constant 2 : i32
      %mul3A_163 = arith.muli %while3A_154, %mul3A_162 : i32
      %add3A_164 = arith.constant 1 : i32
      %add3A_165 = arith.addi %mul3A_163, %add3A_164 : i32
      %lt3A_166 = arith.cmpi slt, %add3A_165, %select_n3A : i32
      %convert_element_type3A_167 = arith.extui %lt3A_166 : i1 to i32
      %cond3A_168 = arith.constant 0 : i32
      %cond3A_169 = arith.cmpi ne, %convert_element_type3A_167, %cond3A_168 : i32
      scf.if %cond3A_169 {
        %mul3A_170 = arith.constant 64 : i32
        %mul3A_171 = arith.muli %add3A_165, %mul3A_170 : i32
        %ge3A_172 = arith.constant 2 : i32
        %ge3A_173 = arith.cmpi sge, %add3A_165, %ge3A_172 : i32
        %convert_element_type3A_174 = arith.extui %ge3A_173 : i1 to i32
        %cond3A_175 = arith.constant 0 : i32
        %cond3A_176 = arith.cmpi ne, %convert_element_type3A_174, %cond3A_175 : i32
        scf.if %cond3A_176 {
          %dma_wait3A_219 = arith.constant 0 : i32
          %dma_wait3A_220 = arith.constant 0 : i32
          %dma_wait3A_221 = tpu.memref_slice %arg6[%add3A, %dma_wait3A_219, %dma_wait3A_220] : memref<32x5120x512xf32, #tpu.memory_space<hbm>> -> memref<1x5120x512xf32, #tpu.memory_space<hbm>>
          %dma_wait3A_222 = tpu.memref_squeeze %dma_wait3A_221 : memref<1x5120x512xf32, #tpu.memory_space<hbm>> -> memref<5120x512xf32, #tpu.memory_space<hbm>>
          %dma_wait3A_223 = arith.constant 0 : i32
          %dma_wait3A_224 = arith.constant 0 : i32
          %dma_wait3A_225 = tpu.memref_slice %dma_wait3A_222[%dma_wait3A_223, %dma_wait3A_224] : memref<5120x512xf32, #tpu.memory_space<hbm>> -> memref<64x512xf32, #tpu.memory_space<hbm>>
          %dma_wait3A_226 = arith.constant 0 : i32
          %dma_wait3A_227 = arith.constant 0 : i32
          %dma_wait3A_228 = tpu.memref_slice %arg6[%add3A, %dma_wait3A_226, %dma_wait3A_227] : memref<32x5120x512xf32, #tpu.memory_space<hbm>> -> memref<1x5120x512xf32, #tpu.memory_space<hbm>>
          %dma_wait3A_229 = tpu.memref_squeeze %dma_wait3A_228 : memref<1x5120x512xf32, #tpu.memory_space<hbm>> -> memref<5120x512xf32, #tpu.memory_space<hbm>>
          %dma_wait3A_230 = arith.constant 0 : i32
          %dma_wait3A_231 = arith.constant 0 : i32
          %dma_wait3A_232 = tpu.memref_slice %dma_wait3A_229[%dma_wait3A_230, %dma_wait3A_231] : memref<5120x512xf32, #tpu.memory_space<hbm>> -> memref<64x512xf32, #tpu.memory_space<hbm>>
          tpu.wait_dma2 semaphore(%arg26 : memref<!tpu.dma_semaphore, #tpu.memory_space<semaphore_mem>>) src(%arg21 : memref<64x512xf32, #tpu.memory_space<vmem>>) dst(%dma_wait3A_232 : memref<64x512xf32, #tpu.memory_space<hbm>>)
        } else {
        }
        %add3A_177 = arith.constant 0 : i32
        %add3A_178 = arith.addi %mul3A_171, %add3A_177 : i32
        %get3A_179 = arith.index_cast %add3A_178 : i32 to index
        %get3A_180 = tpu.vector_load %arg15[%get3A_179] {strides = array<i32>} : memref<5120xi32, #tpu.memory_space<vmem>>, vector<16xi32>,
        %swap3A_181 = arith.constant 0 : index
        %swap3A_182 = tpu.vector_load %arg18[%swap3A_181] {strides = array<i32>} : memref<64xi32, #tpu.memory_space<vmem>>, vector<16xi32>,
        tpu.vector_store %arg18[%swap3A_181], %get3A_180 {strides = array<i32>} : memref<64xi32, #tpu.memory_space<vmem>>, vector<16xi32>,
        %add3A_183 = arith.constant 16 : i32
        %add3A_184 = arith.addi %mul3A_171, %add3A_183 : i32
        %get3A_185 = arith.index_cast %add3A_184 : i32 to index
        %get3A_186 = tpu.vector_load %arg15[%get3A_185] {strides = array<i32>} : memref<5120xi32, #tpu.memory_space<vmem>>, vector<16xi32>,
        %swap3A_187 = arith.constant 16 : index
        %swap3A_188 = tpu.vector_load %arg18[%swap3A_187] {strides = array<i32>} : memref<64xi32, #tpu.memory_space<vmem>>, vector<16xi32>,
        tpu.vector_store %arg18[%swap3A_187], %get3A_186 {strides = array<i32>} : memref<64xi32, #tpu.memory_space<vmem>>, vector<16xi32>,
        %add3A_189 = arith.constant 32 : i32
        %add3A_190 = arith.addi %mul3A_171, %add3A_189 : i32
        %get3A_191 = arith.index_cast %add3A_190 : i32 to index
        %get3A_192 = tpu.vector_load %arg15[%get3A_191] {strides = array<i32>} : memref<5120xi32, #tpu.memory_space<vmem>>, vector<16xi32>,
        %swap3A_193 = arith.constant 32 : index
        %swap3A_194 = tpu.vector_load %arg18[%swap3A_193] {strides = array<i32>} : memref<64xi32, #tpu.memory_space<vmem>>, vector<16xi32>,
        tpu.vector_store %arg18[%swap3A_193], %get3A_192 {strides = array<i32>} : memref<64xi32, #tpu.memory_space<vmem>>, vector<16xi32>,
        %add3A_195 = arith.constant 48 : i32
        %add3A_196 = arith.addi %mul3A_171, %add3A_195 : i32
        %get3A_197 = arith.index_cast %add3A_196 : i32 to index
        %get3A_198 = tpu.vector_load %arg15[%get3A_197] {strides = array<i32>} : memref<5120xi32, #tpu.memory_space<vmem>>, vector<16xi32>,
        %swap3A_199 = arith.constant 48 : index
        %swap3A_200 = tpu.vector_load %arg18[%swap3A_199] {strides = array<i32>} : memref<64xi32, #tpu.memory_space<vmem>>, vector<16xi32>,
        tpu.vector_store %arg18[%swap3A_199], %get3A_198 {strides = array<i32>} : memref<64xi32, #tpu.memory_space<vmem>>, vector<16xi32>,
        %dma_start3A_201 = arith.constant 0 : i32
        %dma_start3A_202 = arith.constant 0 : i32
        %dma_start3A_203 = tpu.memref_slice %arg5[%dma_start3A_201, %dma_start3A_202] : memref<10000x512xf32, #tpu.memory_space<hbm>> -> memref<10000x512xf32, #tpu.memory_space<hbm>>
        tpu.enqueue_indirect_dma source(%dma_start3A_203 : memref<10000x512xf32, #tpu.memory_space<hbm>>) target(%arg21 : memref<64x512xf32, #tpu.memory_space<vmem>>) offsets(%arg18 : memref<64xi32, #tpu.memory_space<vmem>>) semaphore(%arg24 : memref<!tpu.dma_semaphore, #tpu.memory_space<semaphore_mem>>)
        %dma_wait3A_204 = arith.constant 0 : i32
        %dma_wait3A_205 = arith.constant 0 : i32
        %dma_wait3A_206 = tpu.memref_slice %arg5[%dma_wait3A_204, %dma_wait3A_205] : memref<10000x512xf32, #tpu.memory_space<hbm>> -> memref<10000x512xf32, #tpu.memory_space<hbm>>
        tpu.wait_indirect_dma semaphore(%arg24 : memref<!tpu.dma_semaphore, #tpu.memory_space<semaphore_mem>>) src(%dma_wait3A_206 : memref<10000x512xf32, #tpu.memory_space<hbm>>) dst(%arg21 : memref<64x512xf32, #tpu.memory_space<vmem>>)
        %dma_start3A_207 = arith.constant 0 : i32
        %dma_start3A_208 = arith.constant 0 : i32
        %dma_start3A_209 = tpu.memref_slice %arg6[%add3A, %dma_start3A_207, %dma_start3A_208] : memref<32x5120x512xf32, #tpu.memory_space<hbm>> -> memref<1x5120x512xf32, #tpu.memory_space<hbm>>
        %dma_start3A_210 = tpu.memref_squeeze %dma_start3A_209 : memref<1x5120x512xf32, #tpu.memory_space<hbm>> -> memref<5120x512xf32, #tpu.memory_space<hbm>>
        %dma_start3A_211 = arith.constant 0 : i32
        %dma_start3A_212 = tpu.memref_slice %dma_start3A_210[%mul3A_171, %dma_start3A_211] : memref<5120x512xf32, #tpu.memory_space<hbm>> -> memref<64x512xf32, #tpu.memory_space<hbm>>
        %dma_start3A_213 = arith.constant 0 : i32
        %dma_start3A_214 = arith.constant 0 : i32
        %dma_start3A_215 = tpu.memref_slice %arg6[%add3A, %dma_start3A_213, %dma_start3A_214] : memref<32x5120x512xf32, #tpu.memory_space<hbm>> -> memref<1x5120x512xf32, #tpu.memory_space<hbm>>
        %dma_start3A_216 = tpu.memref_squeeze %dma_start3A_215 : memref<1x5120x512xf32, #tpu.memory_space<hbm>> -> memref<5120x512xf32, #tpu.memory_space<hbm>>
        %dma_start3A_217 = arith.constant 0 : i32
        %dma_start3A_218 = tpu.memref_slice %dma_start3A_216[%mul3A_171, %dma_start3A_217] : memref<5120x512xf32, #tpu.memory_space<hbm>> -> memref<64x512xf32, #tpu.memory_space<hbm>>
        tpu.enqueue_dma source(%arg21 : memref<64x512xf32, #tpu.memory_space<vmem>>) target(%dma_start3A_218 : memref<64x512xf32, #tpu.memory_space<hbm>>) target_semaphore(%arg26 : memref<!tpu.dma_semaphore, #tpu.memory_space<semaphore_mem>>)
      } else {
      }
    }
    %ge3A = arith.constant 1 : i32
    %ge3A_92 = arith.cmpi sge, %select_n3A, %ge3A : i32
    %convert_element_type3A = arith.extui %ge3A_92 : i1 to i32
    %cond3A = arith.constant 0 : i32
    %cond3A_93 = arith.cmpi ne, %convert_element_type3A, %cond3A : i32
    scf.if %cond3A_93 {
      %dma_wait3A_154 = arith.constant 0 : i32
      %dma_wait3A_155 = arith.constant 0 : i32
      %dma_wait3A_156 = tpu.memref_slice %arg6[%add3A, %dma_wait3A_154, %dma_wait3A_155] : memref<32x5120x512xf32, #tpu.memory_space<hbm>> -> memref<1x5120x512xf32, #tpu.memory_space<hbm>>
      %dma_wait3A_157 = tpu.memref_squeeze %dma_wait3A_156 : memref<1x5120x512xf32, #tpu.memory_space<hbm>> -> memref<5120x512xf32, #tpu.memory_space<hbm>>
      %dma_wait3A_158 = arith.constant 0 : i32
      %dma_wait3A_159 = arith.constant 0 : i32
      %dma_wait3A_160 = tpu.memref_slice %dma_wait3A_157[%dma_wait3A_158, %dma_wait3A_159] : memref<5120x512xf32, #tpu.memory_space<hbm>> -> memref<64x512xf32, #tpu.memory_space<hbm>>
      %dma_wait3A_161 = arith.constant 0 : i32
      %dma_wait3A_162 = arith.constant 0 : i32
      %dma_wait3A_163 = tpu.memref_slice %arg6[%add3A, %dma_wait3A_161, %dma_wait3A_162] : memref<32x5120x512xf32, #tpu.memory_space<hbm>> -> memref<1x5120x512xf32, #tpu.memory_space<hbm>>
      %dma_wait3A_164 = tpu.memref_squeeze %dma_wait3A_163 : memref<1x5120x512xf32, #tpu.memory_space<hbm>> -> memref<5120x512xf32, #tpu.memory_space<hbm>>
      %dma_wait3A_165 = arith.constant 0 : i32
      %dma_wait3A_166 = arith.constant 0 : i32
      %dma_wait3A_167 = tpu.memref_slice %dma_wait3A_164[%dma_wait3A_165, %dma_wait3A_166] : memref<5120x512xf32, #tpu.memory_space<hbm>> -> memref<64x512xf32, #tpu.memory_space<hbm>>
      tpu.wait_dma2 semaphore(%arg25 : memref<!tpu.dma_semaphore, #tpu.memory_space<semaphore_mem>>) src(%arg20 : memref<64x512xf32, #tpu.memory_space<vmem>>) dst(%dma_wait3A_167 : memref<64x512xf32, #tpu.memory_space<hbm>>)
    } else {
    }
    %ge3A_94 = arith.constant 2 : i32
    %ge3A_95 = arith.cmpi sge, %select_n3A, %ge3A_94 : i32
    %convert_element_type3A_96 = arith.extui %ge3A_95 : i1 to i32
    %cond3A_97 = arith.constant 0 : i32
    %cond3A_98 = arith.cmpi ne, %convert_element_type3A_96, %cond3A_97 : i32
    scf.if %cond3A_98 {
      %dma_wait3A_154 = arith.constant 0 : i32
      %dma_wait3A_155 = arith.constant 0 : i32
      %dma_wait3A_156 = tpu.memref_slice %arg6[%add3A, %dma_wait3A_154, %dma_wait3A_155] : memref<32x5120x512xf32, #tpu.memory_space<hbm>> -> memref<1x5120x512xf32, #tpu.memory_space<hbm>>
      %dma_wait3A_157 = tpu.memref_squeeze %dma_wait3A_156 : memref<1x5120x512xf32, #tpu.memory_space<hbm>> -> memref<5120x512xf32, #tpu.memory_space<hbm>>
      %dma_wait3A_158 = arith.constant 0 : i32
      %dma_wait3A_159 = arith.constant 0 : i32
      %dma_wait3A_160 = tpu.memref_slice %dma_wait3A_157[%dma_wait3A_158, %dma_wait3A_159] : memref<5120x512xf32, #tpu.memory_space<hbm>> -> memref<64x512xf32, #tpu.memory_space<hbm>>
      %dma_wait3A_161 = arith.constant 0 : i32
      %dma_wait3A_162 = arith.constant 0 : i32
      %dma_wait3A_163 = tpu.memref_slice %arg6[%add3A, %dma_wait3A_161, %dma_wait3A_162] : memref<32x5120x512xf32, #tpu.memory_space<hbm>> -> memref<1x5120x512xf32, #tpu.memory_space<hbm>>
      %dma_wait3A_164 = tpu.memref_squeeze %dma_wait3A_163 : memref<1x5120x512xf32, #tpu.memory_space<hbm>> -> memref<5120x512xf32, #tpu.memory_space<hbm>>
      %dma_wait3A_165 = arith.constant 0 : i32
      %dma_wait3A_166 = arith.constant 0 : i32
      %dma_wait3A_167 = tpu.memref_slice %dma_wait3A_164[%dma_wait3A_165, %dma_wait3A_166] : memref<5120x512xf32, #tpu.memory_space<hbm>> -> memref<64x512xf32, #tpu.memory_space<hbm>>
      tpu.wait_dma2 semaphore(%arg26 : memref<!tpu.dma_semaphore, #tpu.memory_space<semaphore_mem>>) src(%arg21 : memref<64x512xf32, #tpu.memory_space<vmem>>) dst(%dma_wait3A_167 : memref<64x512xf32, #tpu.memory_space<hbm>>)
    } else {
    }
    "tpu.region"() ({
      %run_scoped3A = tpu.sem_alloc : memref<!tpu.dma_semaphore, #tpu.memory_space<semaphore_mem>>
      %dma_start3A_154 = arith.constant 0 : i32
      %dma_start3A_155 = tpu.memref_slice %arg7[%add3A, %dma_start3A_154] : memref<32x5120xi32, #tpu.memory_space<hbm>> -> memref<1x5120xi32, #tpu.memory_space<hbm>>
      %dma_start3A_156 = tpu.memref_squeeze %dma_start3A_155 : memref<1x5120xi32, #tpu.memory_space<hbm>> -> memref<5120xi32, #tpu.memory_space<hbm>>
      %dma_start3A_157 = arith.constant 0 : i32
      %dma_start3A_158 = tpu.memref_slice %arg7[%add3A, %dma_start3A_157] : memref<32x5120xi32, #tpu.memory_space<hbm>> -> memref<1x5120xi32, #tpu.memory_space<hbm>>
      %dma_start3A_159 = tpu.memref_squeeze %dma_start3A_158 : memref<1x5120xi32, #tpu.memory_space<hbm>> -> memref<5120xi32, #tpu.memory_space<hbm>>
      tpu.enqueue_dma source(%arg16 : memref<5120xi32, #tpu.memory_space<vmem>>) target(%dma_start3A_159 : memref<5120xi32, #tpu.memory_space<hbm>>) target_semaphore(%run_scoped3A : memref<!tpu.dma_semaphore, #tpu.memory_space<semaphore_mem>>)
      %dma_wait3A_160 = arith.constant 0 : i32
      %dma_wait3A_161 = tpu.memref_slice %arg7[%add3A, %dma_wait3A_160] : memref<32x5120xi32, #tpu.memory_space<hbm>> -> memref<1x5120xi32, #tpu.memory_space<hbm>>
      %dma_wait3A_162 = tpu.memref_squeeze %dma_wait3A_161 : memref<1x5120xi32, #tpu.memory_space<hbm>> -> memref<5120xi32, #tpu.memory_space<hbm>>
      %dma_wait3A_163 = arith.constant 0 : i32
      %dma_wait3A_164 = tpu.memref_slice %arg7[%add3A, %dma_wait3A_163] : memref<32x5120xi32, #tpu.memory_space<hbm>> -> memref<1x5120xi32, #tpu.memory_space<hbm>>
      %dma_wait3A_165 = tpu.memref_squeeze %dma_wait3A_164 : memref<1x5120xi32, #tpu.memory_space<hbm>> -> memref<5120xi32, #tpu.memory_space<hbm>>
      tpu.wait_dma2 semaphore(%run_scoped3A : memref<!tpu.dma_semaphore, #tpu.memory_space<semaphore_mem>>) src(%arg16 : memref<5120xi32, #tpu.memory_space<vmem>>) dst(%dma_wait3A_165 : memref<5120xi32, #tpu.memory_space<hbm>>)
      tpu.yield
    }) : () -> ()
    %broadcast_in_dim3A_99 = arith.constant 0 : i32
    %broadcast_in_dim3A_100 = vector.broadcast %broadcast_in_dim3A_99 : i32 to vector<16xi32>
    %add3A_101 = vector.broadcast %scan3A_37 : i32 to vector<16xi32>
    %add3A_102 = arith.addi %broadcast_in_dim3A_100, %add3A_101 : vector<16xi32>
    %swap3A = arith.constant 0 : index
    %swap3A_103 = tpu.vector_load %arg22[%swap3A] {strides = array<i32>} : memref<128xi32, #tpu.memory_space<vmem>>, vector<16xi32>,
    tpu.vector_store %arg22[%swap3A], %add3A_102 {strides = array<i32>} : memref<128xi32, #tpu.memory_space<vmem>>, vector<16xi32>,
    %swap3A_104 = arith.constant 16 : index
    %swap3A_105 = tpu.vector_load %arg22[%swap3A_104] {strides = array<i32>} : memref<128xi32, #tpu.memory_space<vmem>>, vector<16xi32>,
    tpu.vector_store %arg22[%swap3A_104], %add3A_102 {strides = array<i32>} : memref<128xi32, #tpu.memory_space<vmem>>, vector<16xi32>,
    %swap3A_106 = arith.constant 32 : index
    %swap3A_107 = tpu.vector_load %arg22[%swap3A_106] {strides = array<i32>} : memref<128xi32, #tpu.memory_space<vmem>>, vector<16xi32>,
    tpu.vector_store %arg22[%swap3A_106], %add3A_102 {strides = array<i32>} : memref<128xi32, #tpu.memory_space<vmem>>, vector<16xi32>,
    %swap3A_108 = arith.constant 48 : index
    %swap3A_109 = tpu.vector_load %arg22[%swap3A_108] {strides = array<i32>} : memref<128xi32, #tpu.memory_space<vmem>>, vector<16xi32>,
    tpu.vector_store %arg22[%swap3A_108], %add3A_102 {strides = array<i32>} : memref<128xi32, #tpu.memory_space<vmem>>, vector<16xi32>,
    %swap3A_110 = arith.constant 64 : index
    %swap3A_111 = tpu.vector_load %arg22[%swap3A_110] {strides = array<i32>} : memref<128xi32, #tpu.memory_space<vmem>>, vector<16xi32>,
    tpu.vector_store %arg22[%swap3A_110], %add3A_102 {strides = array<i32>} : memref<128xi32, #tpu.memory_space<vmem>>, vector<16xi32>,
    %swap3A_112 = arith.constant 80 : index
    %swap3A_113 = tpu.vector_load %arg22[%swap3A_112] {strides = array<i32>} : memref<128xi32, #tpu.memory_space<vmem>>, vector<16xi32>,
    tpu.vector_store %arg22[%swap3A_112], %add3A_102 {strides = array<i32>} : memref<128xi32, #tpu.memory_space<vmem>>, vector<16xi32>,
    %swap3A_114 = arith.constant 96 : index
    %swap3A_115 = tpu.vector_load %arg22[%swap3A_114] {strides = array<i32>} : memref<128xi32, #tpu.memory_space<vmem>>, vector<16xi32>,
    tpu.vector_store %arg22[%swap3A_114], %add3A_102 {strides = array<i32>} : memref<128xi32, #tpu.memory_space<vmem>>, vector<16xi32>,
    %swap3A_116 = arith.constant 112 : index
    %swap3A_117 = tpu.vector_load %arg22[%swap3A_116] {strides = array<i32>} : memref<128xi32, #tpu.memory_space<vmem>>, vector<16xi32>,
    tpu.vector_store %arg22[%swap3A_116], %add3A_102 {strides = array<i32>} : memref<128xi32, #tpu.memory_space<vmem>>, vector<16xi32>,
    "tpu.region"() ({
      %run_scoped3A = tpu.sem_alloc : memref<!tpu.dma_semaphore, #tpu.memory_space<semaphore_mem>>
      %dma_start3A_154 = arith.constant 0 : i32
      %dma_start3A_155 = tpu.memref_slice %arg8[%add3A, %dma_start3A_154] : memref<32x128xi32, #tpu.memory_space<hbm>> -> memref<1x128xi32, #tpu.memory_space<hbm>>
      %dma_start3A_156 = tpu.memref_squeeze %dma_start3A_155 : memref<1x128xi32, #tpu.memory_space<hbm>> -> memref<128xi32, #tpu.memory_space<hbm>>
      %dma_start3A_157 = arith.constant 0 : i32
      %dma_start3A_158 = tpu.memref_slice %arg8[%add3A, %dma_start3A_157] : memref<32x128xi32, #tpu.memory_space<hbm>> -> memref<1x128xi32, #tpu.memory_space<hbm>>
      %dma_start3A_159 = tpu.memref_squeeze %dma_start3A_158 : memref<1x128xi32, #tpu.memory_space<hbm>> -> memref<128xi32, #tpu.memory_space<hbm>>
      tpu.enqueue_dma source(%arg22 : memref<128xi32, #tpu.memory_space<vmem>>) target(%dma_start3A_159 : memref<128xi32, #tpu.memory_space<hbm>>) target_semaphore(%run_scoped3A : memref<!tpu.dma_semaphore, #tpu.memory_space<semaphore_mem>>)
      %dma_wait3A_160 = arith.constant 0 : i32
      %dma_wait3A_161 = tpu.memref_slice %arg8[%add3A, %dma_wait3A_160] : memref<32x128xi32, #tpu.memory_space<hbm>> -> memref<1x128xi32, #tpu.memory_space<hbm>>
      %dma_wait3A_162 = tpu.memref_squeeze %dma_wait3A_161 : memref<1x128xi32, #tpu.memory_space<hbm>> -> memref<128xi32, #tpu.memory_space<hbm>>
      %dma_wait3A_163 = arith.constant 0 : i32
      %dma_wait3A_164 = tpu.memref_slice %arg8[%add3A, %dma_wait3A_163] : memref<32x128xi32, #tpu.memory_space<hbm>> -> memref<1x128xi32, #tpu.memory_space<hbm>>
      %dma_wait3A_165 = tpu.memref_squeeze %dma_wait3A_164 : memref<1x128xi32, #tpu.memory_space<hbm>> -> memref<128xi32, #tpu.memory_space<hbm>>
      tpu.wait_dma2 semaphore(%run_scoped3A : memref<!tpu.dma_semaphore, #tpu.memory_space<semaphore_mem>>) src(%arg22 : memref<128xi32, #tpu.memory_space<vmem>>) dst(%dma_wait3A_165 : memref<128xi32, #tpu.memory_space<hbm>>)
      tpu.yield
    }) : () -> ()
    %mul3A_118 = arith.constant 32 : i32
    %mul3A_119 = arith.muli %add3A, %mul3A_118 : i32
    %add3A_120 = arith.constant 0 : i32
    %add3A_121 = arith.addi %mul3A_119, %add3A_120 : i32
    %get3A = arith.index_cast %add3A_121 : i32 to index
    %get3A_122 = tpu.vector_load %arg12[%get3A] {strides = array<i32>} : memref<1024xi32, #tpu.memory_space<vmem>>, vector<16xi32>,
    %swap3A_123 = arith.constant 0 : index
    %swap3A_124 = tpu.vector_load %arg19[%swap3A_123] {strides = array<i32>} : memref<32xi32, #tpu.memory_space<vmem>>, vector<16xi32>,
    tpu.vector_store %arg19[%swap3A_123], %get3A_122 {strides = array<i32>} : memref<32xi32, #tpu.memory_space<vmem>>, vector<16xi32>,
    %add3A_125 = arith.constant 16 : i32
    %add3A_126 = arith.addi %mul3A_119, %add3A_125 : i32
    %get3A_127 = arith.index_cast %add3A_126 : i32 to index
    %get3A_128 = tpu.vector_load %arg12[%get3A_127] {strides = array<i32>} : memref<1024xi32, #tpu.memory_space<vmem>>, vector<16xi32>,
    %swap3A_129 = arith.constant 16 : index
    %swap3A_130 = tpu.vector_load %arg19[%swap3A_129] {strides = array<i32>} : memref<32xi32, #tpu.memory_space<vmem>>, vector<16xi32>,
    tpu.vector_store %arg19[%swap3A_129], %get3A_128 {strides = array<i32>} : memref<32xi32, #tpu.memory_space<vmem>>, vector<16xi32>,
    %dma_start3A = arith.constant 0 : i32
    %dma_start3A_131 = arith.constant 0 : i32
    %dma_start3A_132 = tpu.memref_slice %arg20[%dma_start3A, %dma_start3A_131] : memref<64x512xf32, #tpu.memory_space<vmem>> -> memref<32x512xf32, #tpu.memory_space<vmem>>
    %dma_start3A_133 = arith.constant 0 : i32
    %dma_start3A_134 = arith.constant 0 : i32
    %dma_start3A_135 = tpu.memref_slice %arg5[%dma_start3A_133, %dma_start3A_134] : memref<10000x512xf32, #tpu.memory_space<hbm>> -> memref<10000x512xf32, #tpu.memory_space<hbm>>
    tpu.enqueue_indirect_dma source(%dma_start3A_135 : memref<10000x512xf32, #tpu.memory_space<hbm>>) target(%dma_start3A_132 : memref<32x512xf32, #tpu.memory_space<vmem>>) offsets(%arg19 : memref<32xi32, #tpu.memory_space<vmem>>) semaphore(%arg24 : memref<!tpu.dma_semaphore, #tpu.memory_space<semaphore_mem>>)
    %dma_wait3A = arith.constant 0 : i32
    %dma_wait3A_136 = arith.constant 0 : i32
    %dma_wait3A_137 = tpu.memref_slice %arg20[%dma_wait3A, %dma_wait3A_136] : memref<64x512xf32, #tpu.memory_space<vmem>> -> memref<32x512xf32, #tpu.memory_space<vmem>>
    %dma_wait3A_138 = arith.constant 0 : i32
    %dma_wait3A_139 = arith.constant 0 : i32
    %dma_wait3A_140 = tpu.memref_slice %arg5[%dma_wait3A_138, %dma_wait3A_139] : memref<10000x512xf32, #tpu.memory_space<hbm>> -> memref<10000x512xf32, #tpu.memory_space<hbm>>
    tpu.wait_indirect_dma semaphore(%arg24 : memref<!tpu.dma_semaphore, #tpu.memory_space<semaphore_mem>>) src(%dma_wait3A_140 : memref<10000x512xf32, #tpu.memory_space<hbm>>) dst(%dma_wait3A_137 : memref<32x512xf32, #tpu.memory_space<vmem>>)
    "tpu.region"() ({
      %run_scoped3A = tpu.sem_alloc : memref<!tpu.dma_semaphore, #tpu.memory_space<semaphore_mem>>
      %dma_start3A_154 = arith.constant 0 : i32
      %dma_start3A_155 = arith.constant 0 : i32
      %dma_start3A_156 = tpu.memref_slice %arg20[%dma_start3A_154, %dma_start3A_155] : memref<64x512xf32, #tpu.memory_space<vmem>> -> memref<32x512xf32, #tpu.memory_space<vmem>>
      %dma_start3A_157 = arith.constant 0 : i32
      %dma_start3A_158 = tpu.memref_slice %arg9[%mul3A_119, %dma_start3A_157] : memref<1024x512xf32, #tpu.memory_space<hbm>> -> memref<32x512xf32, #tpu.memory_space<hbm>>
      %dma_start3A_159 = arith.constant 0 : i32
      %dma_start3A_160 = tpu.memref_slice %arg9[%mul3A_119, %dma_start3A_159] : memref<1024x512xf32, #tpu.memory_space<hbm>> -> memref<32x512xf32, #tpu.memory_space<hbm>>
      %dma_start3A_161 = arith.constant 0 : i32
      %dma_start3A_162 = arith.constant 0 : i32
      %dma_start3A_163 = tpu.memref_slice %arg20[%dma_start3A_161, %dma_start3A_162] : memref<64x512xf32, #tpu.memory_space<vmem>> -> memref<32x512xf32, #tpu.memory_space<vmem>>
      tpu.enqueue_dma source(%dma_start3A_163 : memref<32x512xf32, #tpu.memory_space<vmem>>) target(%dma_start3A_160 : memref<32x512xf32, #tpu.memory_space<hbm>>) target_semaphore(%run_scoped3A : memref<!tpu.dma_semaphore, #tpu.memory_space<semaphore_mem>>)
      %dma_wait3A_164 = arith.constant 0 : i32
      %dma_wait3A_165 = arith.constant 0 : i32
      %dma_wait3A_166 = tpu.memref_slice %arg20[%dma_wait3A_164, %dma_wait3A_165] : memref<64x512xf32, #tpu.memory_space<vmem>> -> memref<32x512xf32, #tpu.memory_space<vmem>>
      %dma_wait3A_167 = arith.constant 0 : i32
      %dma_wait3A_168 = tpu.memref_slice %arg9[%mul3A_119, %dma_wait3A_167] : memref<1024x512xf32, #tpu.memory_space<hbm>> -> memref<32x512xf32, #tpu.memory_space<hbm>>
      %dma_wait3A_169 = arith.constant 0 : i32
      %dma_wait3A_170 = tpu.memref_slice %arg9[%mul3A_119, %dma_wait3A_169] : memref<1024x512xf32, #tpu.memory_space<hbm>> -> memref<32x512xf32, #tpu.memory_space<hbm>>
      %dma_wait3A_171 = arith.constant 0 : i32
      %dma_wait3A_172 = arith.constant 0 : i32
      %dma_wait3A_173 = tpu.memref_slice %arg20[%dma_wait3A_171, %dma_wait3A_172] : memref<64x512xf32, #tpu.memory_space<vmem>> -> memref<32x512xf32, #tpu.memory_space<vmem>>
      tpu.wait_dma2 semaphore(%run_scoped3A : memref<!tpu.dma_semaphore, #tpu.memory_space<semaphore_mem>>) src(%dma_wait3A_173 : memref<32x512xf32, #tpu.memory_space<vmem>>) dst(%dma_wait3A_170 : memref<32x512xf32, #tpu.memory_space<hbm>>)
      tpu.yield
    }) : () -> ()
    %add3A_141 = arith.constant 0 : i32
    %add3A_142 = arith.addi %mul3A_119, %add3A_141 : i32
    %get3A_143 = arith.index_cast %add3A_142 : i32 to index
    %get3A_144 = tpu.vector_load %arg12[%get3A_143] {strides = array<i32>} : memref<1024xi32, #tpu.memory_space<vmem>>, vector<16xi32>,
    %gather3A = tpu.vector_load_idx %arg11[%get3A_144] : memref<10016xi32, #tpu.memory_space<vmem>>[vector<16xi32>], vector<16xi32>,
    %swap3A_145 = arith.constant 0 : index
    %swap3A_146 = tpu.vector_load %arg23[%swap3A_145] {strides = array<i32>} : memref<32xi32, #tpu.memory_space<vmem>>, vector<16xi32>,
    tpu.vector_store %arg23[%swap3A_145], %gather3A {strides = array<i32>} : memref<32xi32, #tpu.memory_space<vmem>>, vector<16xi32>,
    %add3A_147 = arith.constant 16 : i32
    %add3A_148 = arith.addi %mul3A_119, %add3A_147 : i32
    %get3A_149 = arith.index_cast %add3A_148 : i32 to index
    %get3A_150 = tpu.vector_load %arg12[%get3A_149] {strides = array<i32>} : memref<1024xi32, #tpu.memory_space<vmem>>, vector<16xi32>,
    %gather3A_151 = tpu.vector_load_idx %arg11[%get3A_150] : memref<10016xi32, #tpu.memory_space<vmem>>[vector<16xi32>], vector<16xi32>,
    %swap3A_152 = arith.constant 16 : index
    %swap3A_153 = tpu.vector_load %arg23[%swap3A_152] {strides = array<i32>} : memref<32xi32, #tpu.memory_space<vmem>>, vector<16xi32>,
    tpu.vector_store %arg23[%swap3A_152], %gather3A_151 {strides = array<i32>} : memref<32xi32, #tpu.memory_space<vmem>>, vector<16xi32>,
    "tpu.region"() ({
      %run_scoped3A = tpu.sem_alloc : memref<!tpu.dma_semaphore, #tpu.memory_space<semaphore_mem>>
      %dma_start3A_154 = tpu.memref_slice %arg10[%mul3A_119] : memref<1024xi32, #tpu.memory_space<hbm>> -> memref<32xi32, #tpu.memory_space<hbm>>
      %dma_start3A_155 = tpu.memref_slice %arg10[%mul3A_119] : memref<1024xi32, #tpu.memory_space<hbm>> -> memref<32xi32, #tpu.memory_space<hbm>>
      tpu.enqueue_dma source(%arg23 : memref<32xi32, #tpu.memory_space<vmem>>) target(%dma_start3A_155 : memref<32xi32, #tpu.memory_space<hbm>>) target_semaphore(%run_scoped3A : memref<!tpu.dma_semaphore, #tpu.memory_space<semaphore_mem>>)
      %dma_wait3A_156 = tpu.memref_slice %arg10[%mul3A_119] : memref<1024xi32, #tpu.memory_space<hbm>> -> memref<32xi32, #tpu.memory_space<hbm>>
      %dma_wait3A_157 = tpu.memref_slice %arg10[%mul3A_119] : memref<1024xi32, #tpu.memory_space<hbm>> -> memref<32xi32, #tpu.memory_space<hbm>>
      tpu.wait_dma2 semaphore(%run_scoped3A : memref<!tpu.dma_semaphore, #tpu.memory_space<semaphore_mem>>) src(%arg23 : memref<32xi32, #tpu.memory_space<vmem>>) dst(%dma_wait3A_157 : memref<32xi32, #tpu.memory_space<hbm>>)
      tpu.yield
    }) : () -> ()
    return
  }
}

module attributes {stable_mosaic.version = 14 : i64} {
  func.func @_x0aug_body(%arg0: i32, %arg1: memref<1000x256xf32, #tpu.memory_space<vmem>>, %arg2: memref<256x512xf32, #tpu.memory_space<vmem>>, %arg3: memref<1x512xf32, #tpu.memory_space<vmem>>, %arg4: memref<1000x512xf32, #tpu.memory_space<vmem>>) attributes {dimension_semantics = [#tpu.dimension_semantics<arbitrary>], iteration_bounds = array<i64: 10>, scalar_prefetch = 0 : i64, scratch_operands = 0 : i64, tpu.core_type = #tpu.core_type<tc>, window_params = [{transform_indices = @transform_0, window_bounds = array<i64: 1000, 256>}, {pipeline_mode = #tpu.pipeline_mode<synchronous>, transform_indices = @transform_1, window_bounds = array<i64: 256, 512>}, {pipeline_mode = #tpu.pipeline_mode<synchronous>, transform_indices = @transform_2, window_bounds = array<i64: 1, 512>}, {transform_indices = @transform_3, window_bounds = array<i64: 1000, 512>}]} {
    %get3A = arith.constant 0 : index
    %get3A_0 = arith.constant 0 : index
    %get3A_1 = vector.load %arg1[%get3A, %get3A_0] : memref<1000x256xf32, #tpu.memory_space<vmem>>, vector<1000x256xf32>
    %get3A_2 = arith.constant 0 : index
    %get3A_3 = arith.constant 0 : index
    %get3A_4 = vector.load %arg2[%get3A_2, %get3A_3] : memref<256x512xf32, #tpu.memory_space<vmem>>, vector<256x512xf32>
    %dot_general3A = arith.constant dense<0.000000e+00> : vector<1000x512xf32>
    %dot_general3A_5 = tpu.matmul %get3A_1, %get3A_4, %dot_general3A {dimension_numbers = #tpu.dot_dimension_numbers<[1], [0], [0], [1], [0, 0, 1, 1], [], []>, transpose_lhs_hint = false} : vector<1000x256xf32>, vector<256x512xf32>, vector<1000x512xf32> -> vector<1000x512xf32>
    %get3A_6 = arith.constant 0 : index
    %get3A_7 = arith.constant 0 : index
    %get3A_8 = vector.load %arg3[%get3A_6, %get3A_7] : memref<1x512xf32, #tpu.memory_space<vmem>>, vector<1x512xf32>
    %add3A = vector.broadcast %get3A_8 : vector<1x512xf32> to vector<1000x512xf32>
    %add3A_9 = arith.addf %dot_general3A_5, %add3A : vector<1000x512xf32>
    %swap3A = arith.constant 0 : index
    %swap3A_10 = arith.constant 0 : index
    %swap3A_11 = vector.load %arg4[%swap3A, %swap3A_10] : memref<1000x512xf32, #tpu.memory_space<vmem>>, vector<1000x512xf32>
    tpu.vector_store %arg4[%swap3A, %swap3A_10], %add3A_9 {strides = array<i32>} : memref<1000x512xf32, #tpu.memory_space<vmem>>, vector<1000x512xf32>,
    return
  }
  func.func @transform_0(%arg0: i32) -> (i32, i32) {
    %c0_i32 = arith.constant 0 : i32
    %c0_i32_0 = arith.constant 0 : i32
    return %arg0, %c0_i32 : i32, i32
  }
  func.func @transform_1(%arg0: i32) -> (i32, i32) {
    %c0_i32 = arith.constant 0 : i32
    %c0_i32_0 = arith.constant 0 : i32
    %c0_i32_1 = arith.constant 0 : i32
    return %c0_i32, %c0_i32_0 : i32, i32
  }
  func.func @transform_2(%arg0: i32) -> (i32, i32) {
    %c0_i32 = arith.constant 0 : i32
    %c0_i32_0 = arith.constant 0 : i32
    %c0_i32_1 = arith.constant 0 : i32
    return %c0_i32, %c0_i32_0 : i32, i32
  }
  func.func @transform_3(%arg0: i32) -> (i32, i32) {
    %c0_i32 = arith.constant 0 : i32
    %c0_i32_0 = arith.constant 0 : i32
    return %arg0, %c0_i32 : i32, i32
  }
}

module attributes {stable_mosaic.version = 14 : i64} {
  func.func @_seg_body(%arg0: i32, %arg1: i32, %arg2: memref<32xi32, #tpu.memory_space<smem>>, %arg3: memref<1x1x512xi32, #tpu.memory_space<vmem>>, %arg4: memref<1x512x512xf32, #tpu.memory_space<vmem>>, %arg5: memref<1024x640xf32, #tpu.memory_space<vmem>>) attributes {dimension_semantics = [#tpu.dimension_semantics<arbitrary>, #tpu.dimension_semantics<arbitrary>], iteration_bounds = array<i64: 32, 10>, scalar_prefetch = 1 : i64, scratch_operands = 0 : i64, tpu.core_type = #tpu.core_type<tc>, window_params = [{transform_indices = @transform_0, window_bounds = array<i64: 1, 1, 512>}, {transform_indices = @transform_1, window_bounds = array<i64: 1, 512, 512>}, {pipeline_mode = #tpu.pipeline_mode<synchronous>, transform_indices = @transform_2, window_bounds = array<i64: 1024, 640>}]} {
    %eq3A = arith.constant 0 : i32
    %eq3A_0 = arith.cmpi eq, %arg0, %eq3A : i32
    %eq3A_1 = arith.constant 0 : i32
    %eq3A_2 = arith.cmpi eq, %arg1, %eq3A_1 : i32
    %and3A = arith.andi %eq3A_0, %eq3A_2 : i1
    %convert_element_type3A = arith.extui %and3A : i1 to i32
    %cond3A = arith.constant 0 : i32
    %cond3A_3 = arith.cmpi ne, %convert_element_type3A, %cond3A : i32
    scf.if %cond3A_3 {
      %broadcast_in_dim3A = arith.constant 0.000000e+00 : f32
      %broadcast_in_dim3A_9 = vector.broadcast %broadcast_in_dim3A : f32 to vector<1024x640xf32>
      %swap3A = arith.constant 0 : index
      %swap3A_10 = arith.constant 0 : index
      %swap3A_11 = vector.load %arg5[%swap3A, %swap3A_10] : memref<1024x640xf32, #tpu.memory_space<vmem>>, vector<1024x640xf32>
      tpu.vector_store %arg5[%swap3A, %swap3A_10], %broadcast_in_dim3A_9 {strides = array<i32>} : memref<1024x640xf32, #tpu.memory_space<vmem>>, vector<1024x640xf32>,
    } else {
    }
    %mul3A = arith.constant 512 : i32
    %mul3A_4 = arith.muli %arg1, %mul3A : i32
    %get3A = arith.index_cast %arg0 : i32 to index
    %get3A_5 = memref.load %arg2[%get3A] : memref<32xi32, #tpu.memory_space<smem>>
    %lt3A = arith.cmpi slt, %mul3A_4, %get3A_5 : i32
    %convert_element_type3A_6 = arith.extui %lt3A : i1 to i32
    %cond3A_7 = arith.constant 0 : i32
    %cond3A_8 = arith.cmpi ne, %convert_element_type3A_6, %cond3A_7 : i32
    scf.if %cond3A_8 {
      %get3A_9 = arith.constant 0 : index
      %get3A_10 = arith.constant 0 : index
      %get3A_11 = arith.constant 0 : index
      %get3A_12 = vector.load %arg3[%get3A_9, %get3A_10, %get3A_11] : memref<1x1x512xi32, #tpu.memory_space<vmem>>, vector<1x1x512xi32>
      %get3A_13 = vector.shape_cast %get3A_12 : vector<1x1x512xi32> to vector<1x512xi32>
      %iota3A = tpu.iota {dimensions = array<i32: 0>} : vector<1024x512xi32>
      %eq3A_14 = vector.broadcast %get3A_13 : vector<1x512xi32> to vector<1024x512xi32>
      %eq3A_15 = arith.cmpi eq, %eq3A_14, %iota3A : vector<1024x512xi32>
      %convert_element_type3A_16 = arith.extui %eq3A_15 : vector<1024x512xi1> to vector<1024x512xi32>
      %convert_element_type3A_17 = arith.sitofp %convert_element_type3A_16 : vector<1024x512xi32> to vector<1024x512xf32>
      %convert_element_type3A_18 = arith.truncf %convert_element_type3A_17 : vector<1024x512xf32> to vector<1024x512xbf16>
      %get3A_19 = arith.constant 0 : index
      %get3A_20 = arith.constant 0 : index
      %get3A_21 = arith.constant 0 : index
      %get3A_22 = vector.load %arg4[%get3A_19, %get3A_20, %get3A_21] : memref<1x512x512xf32, #tpu.memory_space<vmem>>, vector<1x512x512xf32>
      %get3A_23 = vector.shape_cast %get3A_22 : vector<1x512x512xf32> to vector<512x512xf32>
      %convert_element_type3A_24 = arith.truncf %get3A_23 : vector<512x512xf32> to vector<512x512xbf16>
      %convert_element_type3A_25 = arith.extf %convert_element_type3A_24 : vector<512x512xbf16> to vector<512x512xf32>
      %sub3A = arith.subf %get3A_23, %convert_element_type3A_25 : vector<512x512xf32>
      %convert_element_type3A_26 = arith.truncf %sub3A : vector<512x512xf32> to vector<512x512xbf16>
      %convert_element_type3A_27 = arith.extf %convert_element_type3A_26 : vector<512x512xbf16> to vector<512x512xf32>
      %sub3A_28 = arith.subf %sub3A, %convert_element_type3A_27 : vector<512x512xf32>
      %convert_element_type3A_29 = arith.truncf %sub3A_28 : vector<512x512xf32> to vector<512x512xbf16>
      %dot_general3A = arith.constant dense<0.000000e+00> : vector<1024x512xf32>
      %dot_general3A_30 = tpu.matmul %convert_element_type3A_18, %convert_element_type3A_24, %dot_general3A {dimension_numbers = #tpu.dot_dimension_numbers<[1], [0], [0], [1], [0, 0, 1, 1], [], []>, transpose_lhs_hint = false} : vector<1024x512xbf16>, vector<512x512xbf16>, vector<1024x512xf32> -> vector<1024x512xf32>
      %dot_general3A_31 = arith.constant dense<0.000000e+00> : vector<1024x512xf32>
      %dot_general3A_32 = tpu.matmul %convert_element_type3A_18, %convert_element_type3A_26, %dot_general3A_31 {dimension_numbers = #tpu.dot_dimension_numbers<[1], [0], [0], [1], [0, 0, 1, 1], [], []>, transpose_lhs_hint = false} : vector<1024x512xbf16>, vector<512x512xbf16>, vector<1024x512xf32> -> vector<1024x512xf32>
      %add3A = arith.addf %dot_general3A_30, %dot_general3A_32 : vector<1024x512xf32>
      %dot_general3A_33 = arith.constant dense<0.000000e+00> : vector<1024x512xf32>
      %dot_general3A_34 = tpu.matmul %convert_element_type3A_18, %convert_element_type3A_29, %dot_general3A_33 {dimension_numbers = #tpu.dot_dimension_numbers<[1], [0], [0], [1], [0, 0, 1, 1], [], []>, transpose_lhs_hint = false} : vector<1024x512xbf16>, vector<512x512xbf16>, vector<1024x512xf32> -> vector<1024x512xf32>
      %add3A_35 = arith.addf %add3A, %dot_general3A_34 : vector<1024x512xf32>
      %get3A_36 = arith.constant 0 : index
      %get3A_37 = arith.constant 0 : index
      %get3A_38 = vector.load %arg5[%get3A_36, %get3A_37] : memref<1024x640xf32, #tpu.memory_space<vmem>>, vector<1024x512xf32>
      %add3A_39 = arith.addf %get3A_38, %add3A_35 : vector<1024x512xf32>
      %swap3A = arith.constant 0 : index
      %swap3A_40 = arith.constant 0 : index
      %swap3A_41 = vector.load %arg5[%swap3A, %swap3A_40] : memref<1024x640xf32, #tpu.memory_space<vmem>>, vector<1024x512xf32>
      tpu.vector_store %arg5[%swap3A, %swap3A_40], %add3A_39 {strides = array<i32>} : memref<1024x640xf32, #tpu.memory_space<vmem>>, vector<1024x512xf32>,
      %convert_element_type3A_42 = arith.extf %convert_element_type3A_18 : vector<1024x512xbf16> to vector<1024x512xf32>
      %reduce_sum3A = arith.constant dense<0.000000e+00> : vector<1024xf32>
      %reduce_sum3A_43 = vector.multi_reduction <add>, %convert_element_type3A_42, %reduce_sum3A [1] : vector<1024x512xf32> to vector<1024xf32>
      %broadcast_in_dim3A = vector.shape_cast %reduce_sum3A_43 : vector<1024xf32> to vector<1024x1xf32>
      %get3A_44 = arith.constant 0 : index
      %get3A_45 = arith.constant 512 : index
      %get3A_46 = vector.load %arg5[%get3A_44, %get3A_45] : memref<1024x640xf32, #tpu.memory_space<vmem>>, vector<1024x128xf32>
      %broadcast_in_dim3A_47 = vector.shape_cast %broadcast_in_dim3A : vector<1024x1xf32> to vector<1024x1xf32>
      %broadcast_in_dim3A_48 = vector.broadcast %broadcast_in_dim3A_47 : vector<1024x1xf32> to vector<1024x128xf32>
      %add3A_49 = arith.addf %get3A_46, %broadcast_in_dim3A_48 : vector<1024x128xf32>
      %swap3A_50 = arith.constant 0 : index
      %swap3A_51 = arith.constant 512 : index
      %swap3A_52 = vector.load %arg5[%swap3A_50, %swap3A_51] : memref<1024x640xf32, #tpu.memory_space<vmem>>, vector<1024x128xf32>
      tpu.vector_store %arg5[%swap3A_50, %swap3A_51], %add3A_49 {strides = array<i32>} : memref<1024x640xf32, #tpu.memory_space<vmem>>, vector<1024x128xf32>,
    } else {
    }
    return
  }
  func.func @transform_0(%arg0: i32, %arg1: i32, %arg2: memref<32xi32, #tpu.memory_space<smem>>) -> (i32, i32, i32) {
    %mul3A = arith.constant 10 : i32
    %mul3A_0 = arith.muli %arg0, %mul3A : i32
    %get3A = arith.index_cast %arg0 : i32 to index
    %get3A_1 = memref.load %arg2[%get3A] : memref<32xi32, #tpu.memory_space<smem>>
    %add3A = arith.constant 512 : i32
    %add3A_2 = arith.addi %get3A_1, %add3A : i32
    %sub3A = arith.constant 1 : i32
    %sub3A_3 = arith.subi %add3A_2, %sub3A : i32
    %jit3A = arith.constant 512 : i32
    %div3A = arith.divsi %sub3A_3, %jit3A : i32
    %sign3A = arith.constant 0 : i32
    %sign3A_4 = arith.cmpi sgt, %sub3A_3, %sign3A : i32
    %sign3A_5 = arith.extui %sign3A_4 : i1 to i32
    %sign3A_6 = arith.constant 0 : i32
    %sign3A_7 = arith.cmpi slt, %sub3A_3, %sign3A_6 : i32
    %sign3A_8 = arith.extui %sign3A_7 : i1 to i32
    %sign3A_9 = arith.subi %sign3A_5, %sign3A_8 : i32
    %sign3A_10 = arith.constant 0 : i32
    %sign3A_11 = arith.cmpi sgt, %jit3A, %sign3A_10 : i32
    %sign3A_12 = arith.extui %sign3A_11 : i1 to i32
    %sign3A_13 = arith.constant 0 : i32
    %sign3A_14 = arith.cmpi slt, %jit3A, %sign3A_13 : i32
    %sign3A_15 = arith.extui %sign3A_14 : i1 to i32
    %sign3A_16 = arith.subi %sign3A_12, %sign3A_15 : i32
    %ne3A = arith.cmpi ne, %sign3A_9, %sign3A_16 : i32
    %rem3A = arith.remsi %sub3A_3, %jit3A : i32
    %ne3A_17 = arith.constant 0 : i32
    %ne3A_18 = arith.cmpi ne, %rem3A, %ne3A_17 : i32
    %and3A = arith.andi %ne3A, %ne3A_18 : i1
    %sub3A_19 = arith.constant 1 : i32
    %sub3A_20 = arith.subi %div3A, %sub3A_19 : i32
    %select_n3A = arith.select %and3A, %sub3A_20, %div3A : i32
    %sub3A_21 = arith.constant 1 : i32
    %sub3A_22 = arith.subi %select_n3A, %sub3A_21 : i32
    %max3A = arith.constant 0 : i32
    %max3A_23 = arith.maxsi %sub3A_22, %max3A : i32
    %min3A = arith.minsi %arg1, %max3A_23 : i32
    %add3A_24 = arith.addi %mul3A_0, %min3A : i32
    %c0_i32 = arith.constant 0 : i32
    %c0_i32_25 = arith.constant 0 : i32
    %c0_i32_26 = arith.constant 0 : i32
    return %add3A_24, %c0_i32, %c0_i32_25 : i32, i32, i32
  }
  func.func @transform_1(%arg0: i32, %arg1: i32, %arg2: memref<32xi32, #tpu.memory_space<smem>>) -> (i32, i32, i32) {
    %get3A = arith.index_cast %arg0 : i32 to index
    %get3A_0 = memref.load %arg2[%get3A] : memref<32xi32, #tpu.memory_space<smem>>
    %add3A = arith.constant 512 : i32
    %add3A_1 = arith.addi %get3A_0, %add3A : i32
    %sub3A = arith.constant 1 : i32
    %sub3A_2 = arith.subi %add3A_1, %sub3A : i32
    %jit3A = arith.constant 512 : i32
    %div3A = arith.divsi %sub3A_2, %jit3A : i32
    %sign3A = arith.constant 0 : i32
    %sign3A_3 = arith.cmpi sgt, %sub3A_2, %sign3A : i32
    %sign3A_4 = arith.extui %sign3A_3 : i1 to i32
    %sign3A_5 = arith.constant 0 : i32
    %sign3A_6 = arith.cmpi slt, %sub3A_2, %sign3A_5 : i32
    %sign3A_7 = arith.extui %sign3A_6 : i1 to i32
    %sign3A_8 = arith.subi %sign3A_4, %sign3A_7 : i32
    %sign3A_9 = arith.constant 0 : i32
    %sign3A_10 = arith.cmpi sgt, %jit3A, %sign3A_9 : i32
    %sign3A_11 = arith.extui %sign3A_10 : i1 to i32
    %sign3A_12 = arith.constant 0 : i32
    %sign3A_13 = arith.cmpi slt, %jit3A, %sign3A_12 : i32
    %sign3A_14 = arith.extui %sign3A_13 : i1 to i32
    %sign3A_15 = arith.subi %sign3A_11, %sign3A_14 : i32
    %ne3A = arith.cmpi ne, %sign3A_8, %sign3A_15 : i32
    %rem3A = arith.remsi %sub3A_2, %jit3A : i32
    %ne3A_16 = arith.constant 0 : i32
    %ne3A_17 = arith.cmpi ne, %rem3A, %ne3A_16 : i32
    %and3A = arith.andi %ne3A, %ne3A_17 : i1
    %sub3A_18 = arith.constant 1 : i32
    %sub3A_19 = arith.subi %div3A, %sub3A_18 : i32
    %select_n3A = arith.select %and3A, %sub3A_19, %div3A : i32
    %sub3A_20 = arith.constant 1 : i32
    %sub3A_21 = arith.subi %select_n3A, %sub3A_20 : i32
    %max3A = arith.constant 0 : i32
    %max3A_22 = arith.maxsi %sub3A_21, %max3A : i32
    %min3A = arith.minsi %arg1, %max3A_22 : i32
    %c0_i32 = arith.constant 0 : i32
    %c0_i32_23 = arith.constant 0 : i32
    return %arg0, %min3A, %c0_i32 : i32, i32, i32
  }
  func.func @transform_2(%arg0: i32, %arg1: i32, %arg2: memref<32xi32, #tpu.memory_space<smem>>) -> (i32, i32) {
    %c0_i32 = arith.constant 0 : i32
    %c0_i32_0 = arith.constant 0 : i32
    %c0_i32_1 = arith.constant 0 : i32
    return %c0_i32, %c0_i32_0 : i32, i32
  }
}

module attributes {stable_mosaic.version = 14 : i64} {
  func.func @_head_body(%arg0: memref<1024x640xf32, #tpu.memory_space<vmem>>, %arg1: memref<1024x512xf32, #tpu.memory_space<vmem>>, %arg2: memref<1024x1xi32, #tpu.memory_space<vmem>>, %arg3: memref<1x1xf32, #tpu.memory_space<vmem>>, %arg4: memref<1x512xf32, #tpu.memory_space<vmem>>, %arg5: memref<1024x1024xf32, #tpu.memory_space<vmem>>, %arg6: memref<1x1024xf32, #tpu.memory_space<vmem>>, %arg7: memref<1024x1024xf32, #tpu.memory_space<vmem>>, %arg8: memref<1x1024xf32, #tpu.memory_space<vmem>>, %arg9: memref<1024x512xf32, #tpu.memory_space<vmem>>, %arg10: memref<1x512xf32, #tpu.memory_space<vmem>>, %arg11: memref<512x1xf32, #tpu.memory_space<vmem>>, %arg12: memref<1x1xf32, #tpu.memory_space<vmem>>, %arg13: memref<1024x1xf32, #tpu.memory_space<vmem>>) attributes {dimension_semantics = [], scalar_prefetch = 0 : i64, scratch_operands = 0 : i64, tpu.core_type = #tpu.core_type<tc>} {
    %get3A = arith.constant 0 : index
    %get3A_0 = arith.constant 0 : index
    %get3A_1 = vector.load %arg3[%get3A, %get3A_0] : memref<1x1xf32, #tpu.memory_space<vmem>>, vector<1x1xf32>
    %get3A_2 = vector.extract %get3A_1[0, 0] : f32 from vector<1x1xf32>
    %get3A_3 = arith.constant 0 : index
    %get3A_4 = arith.constant 0 : index
    %get3A_5 = vector.load %arg0[%get3A_3, %get3A_4] : memref<1024x640xf32, #tpu.memory_space<vmem>>, vector<1024x640xf32>
    %iota3A = tpu.iota {dimensions = array<i32: 1>} : vector<1024x1024xi32>
    %get3A_6 = arith.constant 0 : index
    %get3A_7 = arith.constant 0 : index
    %get3A_8 = vector.load %arg2[%get3A_6, %get3A_7] : memref<1024x1xi32, #tpu.memory_space<vmem>>, vector<1024x1xi32>
    %eq3A = vector.broadcast %get3A_8 : vector<1024x1xi32> to vector<1024x1024xi32>
    %eq3A_9 = arith.cmpi eq, %eq3A, %iota3A : vector<1024x1024xi32>
    %convert_element_type3A = arith.extui %eq3A_9 : vector<1024x1024xi1> to vector<1024x1024xi32>
    %convert_element_type3A_10 = arith.sitofp %convert_element_type3A : vector<1024x1024xi32> to vector<1024x1024xf32>
    %dot_general3A = arith.constant dense<0.000000e+00> : vector<1024x640xf32>
    %dot_general3A_11 = tpu.matmul %convert_element_type3A_10, %get3A_5, %dot_general3A {dimension_numbers = #tpu.dot_dimension_numbers<[1], [0], [0], [1], [0, 0, 1, 1], [], []>, precision = #tpu.contract_precision<fp32>, transpose_lhs_hint = false} : vector<1024x1024xf32>, vector<1024x640xf32>, vector<1024x640xf32> -> vector<1024x640xf32>
    %get3A_12 = arith.constant 0 : index
    %get3A_13 = arith.constant 0 : index
    %get3A_14 = vector.load %arg1[%get3A_12, %get3A_13] : memref<1024x512xf32, #tpu.memory_space<vmem>>, vector<1024x512xf32>
    %add3A = arith.constant 1.000000e+00 : f32
    %add3A_15 = arith.addf %add3A, %get3A_2 : f32
    %mul3A = vector.broadcast %add3A_15 : f32 to vector<1024x512xf32>
    %mul3A_16 = arith.mulf %mul3A, %get3A_14 : vector<1024x512xf32>
    %slice3A = vector.extract_strided_slice %dot_general3A_11 {offsets = [0, 0], sizes = [1024, 512], strides = [1, 1]} : vector<1024x640xf32> to vector<1024x512xf32>
    %add3A_17 = arith.addf %mul3A_16, %slice3A : vector<1024x512xf32>
    %slice3A_18 = vector.extract_strided_slice %dot_general3A_11 {offsets = [0, 512], sizes = [1024, 1], strides = [1, 1]} : vector<1024x640xf32> to vector<1024x1xf32>
    %add3A_19 = arith.constant 1.000000e+00 : f32
    %add3A_20 = arith.addf %add3A_19, %get3A_2 : f32
    %add3A_21 = vector.broadcast %add3A_20 : f32 to vector<1024x1xf32>
    %add3A_22 = arith.addf %add3A_21, %slice3A_18 : vector<1024x1xf32>
    %get3A_23 = arith.constant 0 : index
    %get3A_24 = arith.constant 0 : index
    %get3A_25 = vector.load %arg4[%get3A_23, %get3A_24] : memref<1x512xf32, #tpu.memory_space<vmem>>, vector<1x512xf32>
    %mul3A_26 = vector.broadcast %add3A_22 : vector<1024x1xf32> to vector<1024x512xf32>
    %mul3A_27 = vector.broadcast %get3A_25 : vector<1x512xf32> to vector<1024x512xf32>
    %mul3A_28 = arith.mulf %mul3A_26, %mul3A_27 : vector<1024x512xf32>
    %concatenate3A = tpu.concatenate %mul3A_28, %add3A_17 in 1 : vector<1024x512xf32>, vector<1024x512xf32> -> vector<1024x1024xf32>
    %get3A_29 = arith.constant 0 : index
    %get3A_30 = arith.constant 0 : index
    %get3A_31 = vector.load %arg5[%get3A_29, %get3A_30] : memref<1024x1024xf32, #tpu.memory_space<vmem>>, vector<1024x1024xf32>
    %dot_general3A_32 = arith.constant dense<0.000000e+00> : vector<1024x1024xf32>
    %dot_general3A_33 = tpu.matmul %concatenate3A, %get3A_31, %dot_general3A_32 {dimension_numbers = #tpu.dot_dimension_numbers<[1], [0], [0], [1], [0, 0, 1, 1], [], []>, transpose_lhs_hint = false} : vector<1024x1024xf32>, vector<1024x1024xf32>, vector<1024x1024xf32> -> vector<1024x1024xf32>
    %get3A_34 = arith.constant 0 : index
    %get3A_35 = arith.constant 0 : index
    %get3A_36 = vector.load %arg6[%get3A_34, %get3A_35] : memref<1x1024xf32, #tpu.memory_space<vmem>>, vector<1x1024xf32>
    %add3A_37 = vector.broadcast %get3A_36 : vector<1x1024xf32> to vector<1024x1024xf32>
    %add3A_38 = arith.addf %dot_general3A_33, %add3A_37 : vector<1024x1024xf32>
    %max3A = arith.constant 0.000000e+00 : f32
    %max3A_39 = vector.broadcast %max3A : f32 to vector<1024x1024xf32>
    %max3A_40 = arith.maximumf %add3A_38, %max3A_39 : vector<1024x1024xf32>
    %get3A_41 = arith.constant 0 : index
    %get3A_42 = arith.constant 0 : index
    %get3A_43 = vector.load %arg7[%get3A_41, %get3A_42] : memref<1024x1024xf32, #tpu.memory_space<vmem>>, vector<1024x1024xf32>
    %dot_general3A_44 = arith.constant dense<0.000000e+00> : vector<1024x1024xf32>
    %dot_general3A_45 = tpu.matmul %max3A_40, %get3A_43, %dot_general3A_44 {dimension_numbers = #tpu.dot_dimension_numbers<[1], [0], [0], [1], [0, 0, 1, 1], [], []>, transpose_lhs_hint = false} : vector<1024x1024xf32>, vector<1024x1024xf32>, vector<1024x1024xf32> -> vector<1024x1024xf32>
    %get3A_46 = arith.constant 0 : index
    %get3A_47 = arith.constant 0 : index
    %get3A_48 = vector.load %arg8[%get3A_46, %get3A_47] : memref<1x1024xf32, #tpu.memory_space<vmem>>, vector<1x1024xf32>
    %add3A_49 = vector.broadcast %get3A_48 : vector<1x1024xf32> to vector<1024x1024xf32>
    %add3A_50 = arith.addf %dot_general3A_45, %add3A_49 : vector<1024x1024xf32>
    %get3A_51 = arith.constant 0 : index
    %get3A_52 = arith.constant 0 : index
    %get3A_53 = vector.load %arg9[%get3A_51, %get3A_52] : memref<1024x512xf32, #tpu.memory_space<vmem>>, vector<1024x512xf32>
    %dot_general3A_54 = arith.constant dense<0.000000e+00> : vector<1024x512xf32>
    %dot_general3A_55 = tpu.matmul %add3A_50, %get3A_53, %dot_general3A_54 {dimension_numbers = #tpu.dot_dimension_numbers<[1], [0], [0], [1], [0, 0, 1, 1], [], []>, transpose_lhs_hint = false} : vector<1024x1024xf32>, vector<1024x512xf32>, vector<1024x512xf32> -> vector<1024x512xf32>
    %get3A_56 = arith.constant 0 : index
    %get3A_57 = arith.constant 0 : index
    %get3A_58 = vector.load %arg10[%get3A_56, %get3A_57] : memref<1x512xf32, #tpu.memory_space<vmem>>, vector<1x512xf32>
    %add3A_59 = vector.broadcast %get3A_58 : vector<1x512xf32> to vector<1024x512xf32>
    %add3A_60 = arith.addf %dot_general3A_55, %add3A_59 : vector<1024x512xf32>
    %max3A_61 = arith.constant 0.000000e+00 : f32
    %max3A_62 = vector.broadcast %max3A_61 : f32 to vector<1024x512xf32>
    %max3A_63 = arith.maximumf %add3A_60, %max3A_62 : vector<1024x512xf32>
    %get3A_64 = arith.constant 0 : index
    %get3A_65 = arith.constant 0 : index
    %get3A_66 = vector.load %arg11[%get3A_64, %get3A_65] : memref<512x1xf32, #tpu.memory_space<vmem>>, vector<512x1xf32>
    %dot_general3A_67 = arith.constant dense<0.000000e+00> : vector<1024x1xf32>
    %dot_general3A_68 = tpu.matmul %max3A_63, %get3A_66, %dot_general3A_67 {dimension_numbers = #tpu.dot_dimension_numbers<[1], [0], [0], [1], [0, 0, 1, 1], [], []>, transpose_lhs_hint = false} : vector<1024x512xf32>, vector<512x1xf32>, vector<1024x1xf32> -> vector<1024x1xf32>
    %get3A_69 = arith.constant 0 : index
    %get3A_70 = arith.constant 0 : index
    %get3A_71 = vector.load %arg12[%get3A_69, %get3A_70] : memref<1x1xf32, #tpu.memory_space<vmem>>, vector<1x1xf32>
    %add3A_72 = vector.broadcast %get3A_71 : vector<1x1xf32> to vector<1024x1xf32>
    %add3A_73 = arith.addf %dot_general3A_68, %add3A_72 : vector<1024x1xf32>
    %swap3A = arith.constant 0 : index
    %swap3A_74 = arith.constant 0 : index
    %swap3A_75 = vector.load %arg13[%swap3A, %swap3A_74] : memref<1024x1xf32, #tpu.memory_space<vmem>>, vector<1024x1xf32>
    tpu.vector_store %arg13[%swap3A, %swap3A_74], %add3A_73 {strides = array<i32>} : memref<1024x1xf32, #tpu.memory_space<vmem>>, vector<1024x1xf32>,
    return
  }
}

</mosaic_0001>

<sc_bundles>
// kernel: kernel.6.cloned.1.call-start
scs
__scs_entry_jumppad:
0x0: {  	(pc) =	sbr.rel $0x88, $3  }
0x1: {  	(tag) =	ssettag $0x0;
	lr =	simm.s32 $0x1  }
0x2: {  	[smem:$0x3F92] =	sst lr;
	_ =	strace $0xD0000000  }
0x3: {  	_ = 	snop  }
0x4: {  	_ = 	snop  }
0x5: {  	_ = 	snop  }
0x6: {  	_ = 	snop  }
0x7: {  	_ = 	snop  }
__scs_overlays_trampoline_lowered:
0x8: {  	[smem:$0x3FA1] =	sst s0  }
0x9: {  	[smem:$0x3FA2] =	sst s1  }
0xa: {  	[smem:$0x3FA3] =	sst s2  }
0xb: {  	[smem:$0x3FA4] =	sst s3  }
0xc: {  	[smem:$0x3FA5] =	sst s4  }
0xd: {  	[smem:$0x3FA6] =	sst s5  }
0xe: {  	[smem:$0x3FA7] =	sst s6  }
0xf: {  	[smem:$0x3FA8] =	sst s7  }
0x10: {  	[smem:$0x3FA9] =	sst s8  }
0x11: {  	[smem:$0x3FAA] =	sst s9;
	s0 =	simm.s32 @!p0 $0x0  }
0x12: {  	s1 =	sld [smem:$0x3F90];
	s0 =	simm.s32 @p0 $0x1  }
0x13: {  	[smem:$0x3FAB] =	sst s0;
	s0 =	simm.s32 @!p1 $0x0  }
0x14: {  	s2 =	sld [smem:$0x3F8F];
	s0 =	simm.s32 @p1 $0x1  }
0x15: {  	[smem:$0x3FAC] =	sst s0;
	s0 =	simm.s32 @!p2 $0x0  }
0x16: {  	s3 =	sld [smem:$0x3FDB];
	s0 =	simm.s32 @p2 $0x1  }
0x17: {  	s4 =	simm.s32 $0x1BF5;
	[smem:$0x3FAE] =	sst s0  }
0x18: {  	s0 =	sld [smem:$0x3F91];
	_ =	swait.ge [sflag:s4], $0x0  }
0x19: {  	s7 =	sld [smem:$0x3F92]  }
0x1a: {  	s8 =	sadd.s32 $0xFFFFE003, lr  }
0x1b: {  	s9 =	sadd.s32 $0xFFFFFEF7, lr;
	s5 =	simm.s32 $0xFFFFFFFF;
	p2 =	slt.u32 s8, $0xFFFFF086  }
0x1c: {  	p1 =	slt.u32 s9, $0xF7A;
	s5 =	simm.s32 @!p2 $0x0  }
0x1d: {  	s5 =	simm.s32 @p1 $0x1;
	p0 =	seq.s32 s7, s2  }
0x1e: {  	s7 =	smul.u32 @!p0 $0xF7A, s2;
	p2 =	seq.s32 @!p0 s5, $0x0  }
0x1f: {  	s9 =	smul.u32 $0xF7A, s1;
	s8 =	simm.s32 @!p0 $0x1BF5;
	p2 =	por !p2, p0  }
0x20: {  	[sflag:s8] =	ssyncset.s32 @!p0 $0xFFFFF086;
	s6 =	sadd.s32 @!p0 s3, s7;
	s7 =	simm.s32 @!p0 $0x108  }
0x21: {  	s3 =	sadd.s32 s3, s9;
	s6 =	sadd.s32 @!p0 $0x88, s6;
	s7 =	simm.s32 @p2 $0x1082  }
0x22: {  	[simem:s7], [sflag:s8] =	dma.local @!p0 [hbm:s6], $0xF7A  }
0x23: {  	s9 =	sor.u32 $0xD0000000, s2;
	s6 =	simm.s32 $0x108;
	_ =	swait.ge @!p0 [sflag:s8], $0x0  }
0x24: {  	s3 =	sadd.s32 $0x88, s3;
	s6 =	simm.s32 @!p1 $0x1082;
	[sflag:s4] =	ssyncset.s32 $0xFFFFF086  }
0x25: {  	[simem:s6], [sflag:s4] =	dma.local [hbm:s3], $0xF7A  }
0x26: {  	[smem:$0x3F92] =	sst s1;
	(tag) =	ssettag s2;
	_ =	strace s9  }
0x27: {  	s1 =	sld [smem:$0x3FA2]  }
0x28: {  	s2 =	sld [smem:$0x3FA3]  }
0x29: {  	s4 =	sld [smem:$0x3FA5]  }
0x2a: {  	p0 =	seq.s32 s5, $0x0;
	s5 =	sld [smem:$0x3FA6]  }
0x2b: {  	s6 =	sld [smem:$0x3FA7]  }
0x2c: {  	s7 =	sld [smem:$0x3FA8]  }
0x2d: {  	s3 =	simm.s32 $0x108;
	s8 =	sld [smem:$0x3FA9]  }
0x2e: {  	s3 =	simm.s32 @!p0 $0x1082;
	s9 =	sld [smem:$0x3FAA]  }
0x2f: {  	lr =	sadd.s32 s0, s3;
	s0 =	sld [smem:$0x3FA1]  }
0x30: {  	s3 =	sld [smem:$0x3FA4]  }
0x31: {  	[smem:$0x3FAD] =	sst s10  }
0x32: {  	s10 =	sld [smem:$0x3FAB];
	_ =	sdelay $0x3  }
0x33: {  	p0 =	seq.s32 s10, $0x1;
	s10 =	sld [smem:$0x3FAD];
	_ =	sdelay $0x3  }
0x34: {  	[smem:$0x3FAD] =	sst s10  }
0x35: {  	s10 =	sld [smem:$0x3FAC];
	_ =	sdelay $0x3  }
0x36: {  	p1 =	seq.s32 s10, $0x1;
	s10 =	sld [smem:$0x3FAD];
	_ =	sdelay $0x3  }
0x37: {  	[smem:$0x3FAD] =	sst s10  }
0x38: {  	s10 =	sld [smem:$0x3FAE]  }
0x39: {  	_ = 	snop;
	(pc) =	sbr.ind lr, $3  }
0x3a: {  	_ = 	snop  }
0x3b: {  	_ = 	snop  }
0x3c: {  	p2 =	seq.s32 s10, $0x1;
	s10 =	sld [smem:$0x3FAD]  }
0x3d: {  	_ =	shalt  }
0x3e: {  	_ =	shalt  }
0x3f: {  	_ =	shalt  }
0x40: {  	_ =	shalt  }
0x41: {  	_ =	shalt  }
0x42: {  	_ =	shalt  }
0x43: {  	_ =	shalt  }
0x44: {  	_ =	shalt  }
0x45: {  	_ =	shalt  }
0x46: {  	_ =	shalt  }
0x47: {  	_ =	shalt  }
0x48: {  	_ =	shalt  }
0x49: {  	_ =	shalt  }
0x4a: {  	_ =	shalt  }
0x4b: {  	_ =	shalt  }
0x4c: {  	_ =	shalt  }
0x4d: {  	_ =	shalt  }
0x4e: {  	_ =	shalt  }
0x4f: {  	_ =	shalt  }
0x50: {  	_ =	shalt  }
0x51: {  	_ =	shalt  }
0x52: {  	_ =	shalt  }
0x53: {  	_ =	shalt  }
0x54: {  	_ =	shalt  }
0x55: {  	_ =	shalt  }
0x56: {  	_ =	shalt  }
0x57: {  	_ =	shalt  }
0x58: {  	_ =	shalt  }
0x59: {  	_ =	shalt  }
0x5a: {  	_ =	shalt  }
0x5b: {  	_ =	shalt  }
0x5c: {  	_ =	shalt  }
0x5d: {  	_ =	shalt  }
0x5e: {  	_ =	shalt  }
0x5f: {  	_ =	shalt  }
0x60: {  	_ =	shalt  }
0x61: {  	_ =	shalt  }
0x62: {  	_ =	shalt  }
0x63: {  	_ =	shalt  }
0x64: {  	_ =	shalt  }
0x65: {  	_ =	shalt  }
0x66: {  	_ =	shalt  }
0x67: {  	_ =	shalt  }
0x68: {  	_ =	shalt  }
0x69: {  	_ =	shalt  }
0x6a: {  	_ =	shalt  }
0x6b: {  	_ =	shalt  }
0x6c: {  	_ =	shalt  }
0x6d: {  	_ =	shalt  }
0x6e: {  	_ =	shalt  }
0x6f: {  	_ =	shalt  }
0x70: {  	_ =	shalt  }
0x71: {  	_ =	shalt  }
0x72: {  	_ =	shalt  }
0x73: {  	_ =	shalt  }
0x74: {  	_ =	shalt  }
0x75: {  	_ =	shalt  }
0x76: {  	_ =	shalt  }
0x77: {  	_ =	shalt  }
0x78: {  	_ =	shalt  }
0x79: {  	_ =	shalt  }
0x7a: {  	_ =	shalt  }
0x7b: {  	_ =	shalt  }
0x7c: {  	_ =	shalt  }
0x7d: {  	_ =	shalt  }
0x7e: {  	_ =	shalt  }
0x7f: {  	_ =	shalt  }
0x80: {  	_ =	shalt  }
0x81: {  	_ =	shalt  }
0x82: {  	_ =	shalt  }
0x83: {  	_ =	shalt  }
0x84: {  	_ =	shalt  }
0x85: {  	_ =	shalt  }
0x86: {  	_ =	shalt  }
0x87: {  	_ =	shalt  }
.Lfunc_end0:
.L_simem_size_0:
called_computation_lowered:
.L_overlay_start_0:
0x88: {  	s2 =	sld [smem:$0x3FD9]  }
0x89: {  	s3 =	sld [smem:$0x3FFE];
	_ =	sdelay $0x1  }
0x8a: {  	s1 =	srdreg.scid  }
0x8b: {  	s0 =	sand.u32 $0x1, s1  }
0x8c: {  	s17 =	sshll.u32 s0, $0xA;
	s2 =	sadd.s32 s3, s2  }
0x8d: {  	s2 =	sadd.s32 s2, s17  }
0x8e: {  	[smem:$0x3FB9] =	sst s2  }
0x8f: {  	_ = 	snop  }
0x90: {  	s2 =	sld [smem:$0x3FC7]  }
0x91: {  	s18 =	sld [smem:$0x3FD0];
	(tm) =	ssettm $0x1  }
0x92: {  	s4 =	sld [smem:$0x3FFB];
	_ =	sdelay $0x3  }
0x93: {  	_ =	strace s4  }
0x94: {  	s4 =	sld [smem:$0x3FFC];
	_ =	sdelay $0x3  }
0x95: {  	_ =	strace s4  }
0x96: {  	s4 =	sld [smem:$0x3FFD];
	_ =	sdelay $0x3  }
0x97: {  	_ =	strace s4  }
0x98: {  	_ =	strace $0x8FFFFFFF  }
0x99: {  	s19 =	sld [smem:$0x3FDB];
	_ =	sdelay $0x1  }
0x9a: {  	s5 =	simm.s32 $_scs_section_size  }
0x9b: {  	s6 =	simm.s32 $_size__tile_overlayer_lowered;
	s7 =	simm.s32 $_tile_overlayer_lowered  }
0x9c: {  	s22 =	simm.s32 $0x1BFF;
	s21 =	sshll.u32 s7, $0x1;
	s4 =	sadd.s32 s5, s19  }
0x9d: {  	s8 =	simm.s32 $0x0;
	s20 =	sshll.u32 s6, $0x1;
	s6 =	sadd.s32 s21, s4  }
0x9e: {  	[timem:s8], [sflag:s22] =	dma.local [hbm:s6], s20  }
0x9f: {  	_ =	swait.ge [sflag:s22], s20  }
0xa0: {  	s5 =	ssub.s32 $0x0, s20;
	[sflag:s22] =	ssyncset.done $0x0  }
0xa1: {  	[sflag:s22] =	ssyncadd.s32 s5;
	_ =	sdelay $0x1  }
0xa2: {  	s23 =	simm.s32 $0x1B8B  }
0xa3: {  	_ =	swait.ge [sflag:s23], $0x1  }
0xa4: {  	[sflag:s23] =	ssyncset.done $0x0  }
0xa5: {  	s25 =	simm.s32 $0x1B8E;
	s24 =	sld [smem:$0x3FFE];
	[sflag:s23] =	ssyncadd.s32 $0xFFFFFFFF  }
0xa6: {  	s26 =	simm.s32 $execute0_lowered;
	[smem:$0x3FD2] =	sst s25  }
0xa7: {  	s6 =	sshll.u32 s26, $0x1;
	_ =	strace $0x80000046;
	[dreg:$0x1] =	wrdreg $0xFFFFFFFF  }
0xa8: {  	s28 =	simm.s32 $_size_execute0_lowered;
	s4 =	sadd.s32 s4, s6;
	[dreg:$0x0] =	wrdreg $0x0  }
0xa9: {  	s6 =	sshll.u32 s28, $0x1;
	[dreg:$0x2] =	wrdreg s4  }
0xaa: {  	[dreg:$0x3] =	wrdreg s6  }
0xab: {  	[dreg:$0x4] =	wrdreg $0xC0  }
0xac: {  	_ =	task [dreg:s8], $0x5FFFF  }
0xad: {  	[dreg:$0x1] =	wrdreg $0xFFFFFFFF  }
0xae: {  	[dreg:$0x0] =	wrdreg $0x60  }
0xaf: {  	[dreg:$0x2] =	wrdreg s24  }
0xb0: {  	[dreg:$0x3] =	wrdreg s2  }
0xb1: {  	[dreg:$0x4] =	wrdreg s18  }
0xb2: {  	[dreg:$0x5] =	wrdreg $0x9  }
0xb3: {  	_ =	task.clear_ibuf [dreg:s8], $0x6FFFF;
	_ =	strace $0x90000046  }
0xb4: {  	s29 =	simm.s32 $0x9;
	_ =	strace $0x80000048  }
0xb5: {  	_ =	swait.ge [sflag:s29], $0x1  }
0xb6: {  	[sflag:s29] =	ssyncadd.s32 $0xFFFFFFFF  }
0xb7: {  	_ =	strace $0x90000048  }
0xb8: {  	_ =	sfence  }
0xb9: {  	s30 =	sld [smem:$0x0];
	_ =	sdelay $0x2  }
0xba: {  	s31 =	sshll.u32 s1, $0xD;
	s1 =	sshrl.u32 s1, $0x2  }
0xbb: {  	s3 =	sand.u32 $0x4000, s31;
	s1 =	sadd.s32 s1, s30  }
0xbc: {  	s0 =	sor.u32 s3, s0;
	s1 =	sshll.u32 s1, $0x11  }
0xbd: {  	s0 =	sor.u32 s1, s0  }
0xbe: {  	s0 =	sadd.s32 $0x8F2B, s0  }
0xbf: {  	[sflag:s0] =	ssyncadd.remote.s32 $0x1  }
0xc0: {  	_ =	sfence.sel $0xFFFF  }
0xc1: {  	[dreg:$0x0] =	wrdreg $0xFFFFFFFF;
	(pc) =	sbr.abs _section_cstart, $3  }
0xc2: {  	[dreg:$0x1] =	wrdreg $0xFFFFFFFF  }
0xc3: {  	_ =	task.clear_ibuf [dreg:s8], $0x2FFFF;
	_ =	strace $0x9FFFFFFF  }
0xc4: {  	(tm) =	ssettm $0x7FFFFFFF  }
0xc5: {  	_ =	shalt  }
tec
execute0_lowered:
.L_overlay_start_1:
0x0: {  	(tag) =	ssettag $0x1  }
0x1: {  	s0 =	rddreg [dreg:$0x0];
	s1 =	srdreg.scid  }
0x2: {  	s6 =	stileid.u32;
	s2 =	rddreg [dreg:$0x2]  }
0x3: {  	s3 =	simm.s32 $0x0;
	s16 =	simm.s32 $0x4;
	s28 =	simm.s32 $0xA500  }
0x4: {  	s29 =	simm.s32 $0xAD00;
	s30 =	simm.s32 $0xB500;
	s15 =	simm.s32 $0x15500  }
0x5: {  	s17 =	simm.s32 $0x15D00;
	s1 =	sand.u32 $0x1, s1;
	s4 =	sshll.u32 s6, $0x1  }
0x6: {  	[smem:$0x7FF] =	sst s3;
	s6 =	sshrl.u32 s6, $0x2;
	s5 =	sor.u32 s1, s4  }
0x7: {  	_ =	strace $0x80000047;
	s7 =	smul.u32 $0xA000, s6;
	s6 =	sshll.u32 s6, $0xA  }
0x8: {  	s1 =	ssub.s32 $0x2, s1;
	s4 =	smul.u32 $0x272, s5;
	s9 =	sshll.u32 s5, $0x7  }
0x9: {  	s10 =	smul.u32 $0x50000, s5;
	s19 =	sshll.u32 s5, $0xB;
	s12 =	sshrl.u32 s1, $0x1  }
0xa: {  	s24 =	sshll.u32 s5, $0x2;
	s5 =	simm.s32 $0x16D00;
	s11 =	sand.u32 $0x380, s9  }
0xb: {  	s13 =	sadd.s32 s19, s0;
	s1 =	ssub.s32 s1, s12;
	s25 =	sshrl.u32 s9, $0x2  }
0xc: {  	s19 =	simm.s32 $0x5380;
	s9 =	simm.s32 $0x17500;
	s8 =	sadd.s32 s4, s0  }
0xd: {  	s4 =	sadd.s32 $0xB200, s0;
	s7 =	sor.u32 s7, s11;
	s10 =	sadd.s32 s10, s0  }
0xe: {  	s6 =	sor.u32 s6, s11;
	[dreg:$0x8] =	wrdreg s25;
	s26 =	sadd.s32 $0xAAC800, s13  }
0xf: {  	s31 =	smax.u32 s1, $0x1;
	s25 =	simm.s32 $0x9500;
	s7 =	sshrl.u32 s7, $0x3  }
0x10: {  	s6 =	sshrl.u32 s6, $0x3;
	s20 =	sadd.s32 $0x1200, s8;
	[dreg:$0x9] =	wrdreg s26  }
0x11: {  	s21 =	sadd.s32 $0x6200, s8;
	s8 =	sadd.s32 $0xAC800, s10;
	[dreg:$0xb] =	wrdreg s31  }
0x12: {  	s26 =	simm.s32 $0x9D00;
	s10 =	simm.s32 $0x0;
	[dreg:$0x4] =	wrdreg s20  }
0x13: {  	s18 =	sadd.s32 s7, s0;
	s6 =	sadd.s32 s6, s0;
	[dreg:$0x5] =	wrdreg s21  }
.Ltmp0:
0x14: {  	s7 =	sadd.s32 $0xB300, s0;
	s0 =	sadd.s32 s2, s24;
	(pc) =	sbr.rel .LBB2_1-.Ltmp0, $4  }
0x15: {  	s20 =	simm.s32 $0x6780;
	s21 =	simm.s32 $0x1;
	s24 =	simm.s32 $0x8D00  }
0x16: {  	v0 =	vimm.s32 $0x0;
	v1 =	vimm.s32 $0x1;
	v5 =	vlaneseq.u32;
	s22 =	sadd.s32 $0xA7600, s18;
	s23 =	sadd.s32 $0xAC600, s6;
	[dreg:$0xa] =	wrdreg s0  }
0x17: {  	v2 =	vimm.s32 $0x400;
	vm0 =	vmmov $0xffff;
	v4 =	vshrl.u32 v5, $0x3;
	s6 =	simm.s32 $0xFD00;
	s18 =	simm.s32 $0x16500;
	[dreg:$0x6] =	wrdreg s22  }
0x18: {  	v3 =	vand.u32 $0x7, v5;
	v5 =	vor.u32 $0x8, v5;
	v4 =	vmul.u32 $0x8, v4;
	[dreg:$0x7] =	wrdreg s23;
	s22 =	simm.s32 $0x7D00;
	s23 =	simm.s32 $0x8500  }
.LBB2_18:
0x19: {  	p0 =	slt.s32 s13, $0x1  }
0x1a: {  	s0 =	simm.s32 @!p0 $0x2  }
0x1b: {  	p1 =	seq.s32 @!p0 s13, $0x1;
	_ =	swait.ge @!p0 [sflag:s0], $0x8000  }
0x1c: {  	p1 =	por p1, p0;
	[sflag:s0] =	ssyncset.done @!p0 $0x0  }
0x1d: {  	[sflag:s0] =	ssyncadd.s32 @!p0 $0xFFFF8000;
	s0 =	simm.s32 @!p1 $0x3  }
0x1e: {  	_ =	swait.ge @!p1 [sflag:s0], $0x8000  }
0x1f: {  	s1 =	simm.s32 $0x80;
	[sflag:s0] =	ssyncset.done @!p1 $0x0  }
0x20: {  	s2 =	simm.s32 $0x400;
	s31 =	rddreg [dreg:$0x6];
	[sflag:s0] =	ssyncadd.s32 @!p1 $0xFFFF8000  }
0x21: {  	[hbm4b:s31+s1] =	stream.strided.scatter [tilespmem:s20], [sflag:$0x4], $0x1400, s2, s1, $0x38;
	[tilespmem:$0x17E00] =	vst v63  }
0x22: {  	_ =	swait.ge [sflag:s16], $0x1400  }
0x23: {  	[sflag:s16] =	ssyncset.done $0x0  }
0x24: {  	v6 =	vmov s12;
	[sflag:s16] =	ssyncadd.s32 $0xFFFFEC00  }
0x25: {  	[tilespmem:$0x17D00] =	vst v6  }
0x26: {  	[tilespmem:$0x17D10] =	vst v6  }
0x27: {  	[tilespmem:$0x17D20] =	vst v6  }
0x28: {  	[tilespmem:$0x17D30] =	vst v6  }
0x29: {  	[tilespmem:$0x17D40] =	vst v6  }
0x2a: {  	[tilespmem:$0x17D50] =	vst v6  }
0x2b: {  	[tilespmem:$0x17D60] =	vst v6  }
0x2c: {  	s2 =	simm.s32 $0x17D00;
	s1 =	rddreg [dreg:$0x7];
	[tilespmem:$0x17D70] =	vst v6  }
0x2d: {  	[hbm4b:s1+s3] =	stream.linear.scatter [tilespmem:s2], [sflag:$0x4], $0x80, $0x38;
	[tilespmem:$0x17E00] =	vst v63  }
0x2e: {  	_ =	swait.ge [sflag:s16], $0x80  }
0x2f: {  	[sflag:s16] =	ssyncset.done $0x0  }
0x30: {  	s11 =	rddreg [dreg:$0x8];
	[sflag:s16] =	ssyncadd.s32 $0xFFFFFF80  }
0x31: {  	v6 =	vld [tilespmem:s11+$0x2780];
	_ =	sdelay $0x4  }
0x32: {  	v7 =	vshll.u32 v6, $0x2  }
0x33: {  	v8 =	vand.u32 $0x7, v6;
	v7 =	vand.u32 $0xFFFFFFE0, v7  }
0x34: {  	v7 =	vor.u32 v8, v7  }
0x35: {  	[tilespmem:$0x7C80] =	vst v6;
	v6 =	vperm.xlane v7, v3  }
0x36: {  	v63 =	vld [tilespmem:s11+$0x2790]  }
0x37: {  	v6 =	vadd.s32 v4, v6;
	_ =	sdelay $0x1  }
0x38: {  	v7 =	vperm.xlane v7, v5;
	_ =	sdelay $0x1  }
0x39: {  	v7 =	vadd.s32 v4, v7;
	[tilespmem:$0x7C90] =	vst v63  }
0x3a: {  	[tilespmem:s22], [sflag:$0x1] =	stream.indirect_vreg.gather [hbm4b:s4+s3], $0x80, v6, vm0, $0xb8;
	[tilespmem:$0x17E00] =	vst v63  }
0x3b: {  	_ = 	snop  }
0x3c: {  	[tilespmem:s23], [sflag:$0x1] =	stream.indirect_vreg.gather [hbm4b:s7+s3], $0x80, v6, vm0, $0xb8;
	[tilespmem:$0x17E00] =	vst v63  }
0x3d: {  	_ = 	snop  }
0x3e: {  	[tilespmem:s24], [sflag:$0x1] =	stream.indirect_vreg.gather [hbm4b:s4+s3], $0x80, v7, vm0, $0xb8;
	[tilespmem:$0x17E00] =	vst v63  }
0x3f: {  	_ = 	snop  }
0x40: {  	[tilespmem:s25], [sflag:$0x1] =	stream.indirect_vreg.gather [hbm4b:s7+s3], $0x80, v7, vm0, $0xb8;
	[tilespmem:$0x17E00] =	vst v63  }
0x41: {  	v6 =	vld [tilespmem:$0x7C90];
	_ =	sdelay $0x4  }
0x42: {  	v7 =	vshll.u32 v6, $0x2  }
0x43: {  	v6 =	vand.u32 $0x7, v6;
	v7 =	vand.u32 $0xFFFFFFE0, v7  }
0x44: {  	v6 =	vor.u32 v6, v7  }
0x45: {  	v7 =	vperm.xlane v6, v3;
	_ =	sdelay $0x1  }
0x46: {  	v7 =	vadd.s32 v4, v7;
	_ =	sdelay $0x1  }
0x47: {  	v6 =	vperm.xlane v6, v5;
	_ =	sdelay $0x1  }
0x48: {  	v6 =	vadd.s32 v4, v6  }
0x49: {  	[tilespmem:s26], [sflag:$0x1] =	stream.indirect_vreg.gather [hbm4b:s4+s3], $0x80, v7, vm0, $0xb8;
	[tilespmem:$0x17E00] =	vst v63  }
0x4a: {  	_ = 	snop  }
0x4b: {  	[tilespmem:s28], [sflag:$0x1] =	stream.indirect_vreg.gather [hbm4b:s7+s3], $0x80, v7, vm0, $0xb8;
	[tilespmem:$0x17E00] =	vst v63  }
0x4c: {  	_ = 	snop  }
0x4d: {  	[tilespmem:s29], [sflag:$0x1] =	stream.indirect_vreg.gather [hbm4b:s4+s3], $0x80, v6, vm0, $0xb8;
	[tilespmem:$0x17E00] =	vst v63  }
0x4e: {  	_ = 	snop  }
0x4f: {  	[tilespmem:s30], [sflag:$0x1] =	stream.indirect_vreg.gather [hbm4b:s7+s3], $0x80, v6, vm0, $0xb8;
	[tilespmem:$0x17E00] =	vst v63  }
0x50: {  	_ =	swait.ge [sflag:s21], $0x4000  }
0x51: {  	[sflag:s21] =	ssyncset.done $0x0  }
0x52: {  	s12 =	rddreg [dreg:$0x9];
	[sflag:s21] =	ssyncadd.s32 $0xFFFFC000  }
0x53: {  	[hbm4b:s12+s3] =	stream.linear.scatter [tilespmem:s22], [sflag:$0x4], $0x4000, $0x38;
	[tilespmem:$0x17E00] =	vst v63  }
0x54: {  	_ =	swait.ge [sflag:s16], $0x4000  }
0x55: {  	[sflag:s16] =	ssyncset.done $0x0  }
0x56: {  	[sflag:s16] =	ssyncadd.s32 $0xFFFFC000  }
0x57: {  	v6 =	vld [tilespmem:s11+$0x2780];
	_ =	sdelay $0x7  }
0x58: {  	v6 =	vld.idx.msk [tilespmem:v6+s3+$0x0], $0xffff;
	_ =	sdelay $0x4  }
0x59: {  	[tilespmem:$0x17D80] =	vst v6  }
0x5a: {  	v6 =	vld [tilespmem:s11+$0x2790];
	_ =	sdelay $0x7  }
0x5b: {  	v6 =	vld.idx.msk [tilespmem:v6+s3+$0x0], $0xffff;
	_ =	sdelay $0x4  }
0x5c: {  	s14 =	simm.s32 $0x17D80;
	s13 =	rddreg [dreg:$0xa];
	[tilespmem:$0x17D90] =	vst v6  }
0x5d: {  	[hbm4b:s13+s3] =	stream.linear.scatter [tilespmem:s14], [sflag:$0x4], $0x20, $0x38;
	[tilespmem:$0x17E00] =	vst v63  }
0x5e: {  	_ =	swait.ge [sflag:s16], $0x20  }
0x5f: {  	s10 =	sadd.s32 $0x1, s10;
	s31 =	rddreg [dreg:$0xb]  }
0x60: {  	p0 =	sne.s32 s10, s31  }
.Ltmp1:
0x61: {  	_ = 	snop;
	(pc) =	sbr.rel @!p0 .LBB2_19-.Ltmp1, $3  }
0x62: {  	_ =	sdelay $0x1  }
0x63: {  	[sflag:s16] =	ssyncset.done $0x0  }
0x64: {  	[sflag:s16] =	ssyncadd.s32 $0xFFFFFFE0  }
.LBB2_1:
0x65: {  	s0 =	rddreg [dreg:$0x4];
	s1 =	simm.s32 $0x2B80  }
0x66: {  	[tilespmem:s1], [sflag:$0x4] =	stream.linear.gather [hbm4b:s0+s3], $0x1390, $0x38;
	[tilespmem:$0x17E00] =	vst v63  }
0x67: {  	_ =	swait.ge [sflag:s16], $0x1390  }
0x68: {  	[sflag:s16] =	ssyncset.done $0x0  }
0x69: {  	s13 =	simm.s32 $0x3F80;
	s12 =	rddreg [dreg:$0x5];
	[sflag:s16] =	ssyncadd.s32 $0xFFFFEC70  }
0x6a: {  	[tilespmem:s13], [sflag:$0x4] =	stream.linear.gather [hbm4b:s12+s3], $0x1390, $0x38;
	[tilespmem:$0x17E00] =	vst v63  }
0x6b: {  	_ =	swait.ge [sflag:s16], $0x1390  }
0x6c: {  	[sflag:s16] =	ssyncset.done $0x0  }
0x6d: {  	[sflag:s16] =	ssyncadd.s32 $0xFFFFEC70  }
0x6e: {  	s31 =	simm.s32 $0x2780;
	s14 =	rddreg [dreg:$0x1]  }
0x6f: {  	[tilespmem:s31], [sflag:$0x4] =	stream.linear.gather [hbm4b:s14+s3], $0x400, $0x38;
	[tilespmem:$0x17E00] =	vst v63  }
0x70: {  	_ =	swait.ge [sflag:s16], $0x400  }
0x71: {  	[sflag:s16] =	ssyncset.done $0x0  }
0x72: {  	s0 =	simm.s32 $0x40;
	s1 =	simm.s32 $0x0;
	[sflag:s16] =	ssyncadd.s32 $0xFFFFFC00  }
.LBB2_2:
0x73: {  	p0 =	sne.s32 s0, $0x9C40;
	[tilespmem:s1+$0x0] =	vst v0;
	s1 =	smov.u32 s0;
	s0 =	sadd.s32 $0x40, s0  }
.Ltmp2:
0x74: {  	(pc) =	sbr.rel @p0 .LBB2_2-.Ltmp2, $2  }
0x75: {  	_ =	sdelay $0x2  }
0x76: {  	s1 =	sshra.s32 s1, $0x2  }
0x77: {  	[tilespmem:s1+$0x0] =	vst v0;
	s0 =	simm.s32 $0x0;
	s11 =	simm.s32 $0x0;
	s1 =	simm.s32 $0x40  }
.LBB2_4:
0x78: {  	p0 =	sne.s32 s1, $0xFC0;
	v6 =	vld [tilespmem:s11+$0x2780];
	_ =	sdelay $0x3  }
.Ltmp3:
0x79: {  	(pc) =	sbr.rel @p0 .LBB2_4-.Ltmp3, $2  }
0x7a: {  	_ =	sdelay $0x2  }
0x7b: {  	s11 =	sshra.s32 s1, $0x2;
	s1 =	sadd.s32 $0x40, s1;
	[tilespmem:v6+s0+$0x0] =	vst.idx.msk $0xffff, v1  }
0x7c: {  	v6 =	vld [tilespmem:s11+$0x2780];
	_ =	sdelay $0x7  }
0x7d: {  	s1 =	simm.s32 $0x0;
	[tilespmem:v6+s0+$0x0] =	vst.idx.msk $0xffff, v1  }
0x7e: {  	v6 =	vld [tilespmem:s1+$0x0];
	_ =	sdelay $0x4  }
0x7f: {  	(xrf0) =	vadd.scan.msk.s32 $0xffff, v6;
	_ =	sdelay $0x5  }
0x80: {  	v7, _, _ =	vpop (xrf0)  }
0x81: {  	(v2sf) =	vpush v7, $0xF  }
0x82: {  	v8 =	vsub.s32 s0, v6  }
0x83: {  	vm1 =	vgt.s32 v6, $0x0;
	v6 =	vadd.s32 v7, v8  }
0x84: {  	v6 =	vnsel vm1, $0xFFFFFFFF, v6  }
0x85: {  	s11 =	simm.s32 $0x80;
	[tilespmem:s1+$0x0] =	vst v6;
	s1 =	simm.s32 $0x10  }
.LBB2_6:
0x86: {  	p0 =	sne.s32 s11, $0x9C40;
	v6 =	vld [tilespmem:s1+$0x0];
	_ =	sdelay $0x4  }
0x87: {  	vm1 =	vgt.s32 v6, $0x0;
	(xrf0) =	vadd.scan.msk.s32 $0xffff, v6;
	_ =	sdelay $0x4  }
0x88: {  	s12 =	spop (v2sf)  }
0x89: {  	v7, _, _ =	vpop (xrf0);
	s0 =	sadd.s32 s0, s12  }
.Ltmp4:
0x8a: {  	v6 =	vsub.s32 s0, v6;
	(v2sf) =	vpush v7, $0xF;
	(pc) =	sbr.rel @p0 .LBB2_6-.Ltmp4, $4  }
0x8b: {  	v6 =	vadd.s32 v7, v6  }
0x8c: {  	v6 =	vnsel vm1, $0xFFFFFFFF, v6  }
0x8d: {  	[tilespmem:s1+$0x0] =	vst v6  }
0x8e: {  	s1 =	sshra.s32 s11, $0x2;
	s11 =	sadd.s32 $0x40, s11  }
0x8f: {  	v6 =	vld [tilespmem:s1+$0x0];
	_ =	sdelay $0x4  }
0x90: {  	(xrf0) =	vadd.scan.msk.s32 $0xffff, v6;
	_ =	sdelay $0x5  }
0x91: {  	v7, _, _ =	vpop (xrf0)  }
0x92: {  	(v2sf) =	vpush v7, $0xF;
	_ =	sdelay $0x9  }
0x93: {  	s11 =	spop (v2sf)  }
0x94: {  	s0 =	sadd.s32 s0, s11  }
0x95: {  	v8 =	vsub.s32 s0, v6  }
0x96: {  	vm1 =	vgt.s32 v6, $0x0;
	v6 =	vadd.s32 v7, v8  }
0x97: {  	s11 =	simm.s32 $0x0;
	v6 =	vnsel vm1, $0xFFFFFFFF, v6  }
0x98: {  	s0 =	simm.s32 $0x0;
	[tilespmem:s1+$0x0] =	vst v6;
	s1 =	simm.s32 $0x40;
	s31 =	spop (v2sf)  }
.LBB2_8:
0x99: {  	p0 =	sne.s32 s1, $0x4FC0;
	[tilespmem:s11+$0x5380] =	vst v0;
	s12 =	smov.u32 s1;
	s1 =	sadd.s32 $0x40, s1  }
.Ltmp5:
0x9a: {  	[tilespmem:s11+$0x6780] =	vst v2;
	(pc) =	sbr.rel @p0 .LBB2_8-.Ltmp5, $2  }
0x9b: {  	_ =	sdelay $0x2  }
0x9c: {  	s11 =	sshra.s32 s12, $0x2  }
0x9d: {  	[tilespmem:s11+$0x5380] =	vst v0  }
0x9e: {  	[tilespmem:s11+$0x6780] =	vst v2;
	s1 =	simm.s32 $0x0  }
0x9f: {  	v6 =	vld [tilespmem:s1+$0x3F80];
	_ =	sdelay $0x7  }
0xa0: {  	v6 =	vld.idx.msk [tilespmem:v6+s3+$0x0], $0xffff;
	_ =	sdelay $0x4  }
0xa1: {  	vm1 =	vgt.s32 v6, $0xFFFFFFFF  }
0xa2: {  	v7 =	vsel vm1, $0x1, v0  }
0xa3: {  	(xrf0) =	vadd.scan.msk.s32 $0xffff, v7;
	_ =	sdelay $0x2  }
0xa4: {  	v7 =	vmov s0  }
0xa5: {  	v7 =	vadd.s32 $0xFFFFFFFF, v7  }
0xa6: {  	v7 =	vbroadcast v7, $0x0  }
0xa7: {  	v8, _, _ =	vpop (xrf0)  }
0xa8: {  	v9 =	vld [tilespmem:s1+$0x2B80];
	v7 =	vadd.s32 v7, v8;
	(v2sf) =	vpush v8, $0xF;
	_ =	sdelay $0x4  }
0xa9: {  	[tilespmem:v7+s19+$0x0] =	vst.idx.msk vm1, v9  }
0xaa: {  	s11 =	simm.s32 $0x80;
	s1 =	simm.s32 $0x10;
	[tilespmem:v7+s20+$0x0] =	vst.idx.msk vm1, v6  }
.LBB2_10:
0xab: {  	p0 =	sne.s32 s11, $0x4E00;
	v6 =	vld [tilespmem:s1+$0x3F80];
	_ =	sdelay $0x7  }
0xac: {  	v6 =	vld.idx.msk [tilespmem:v6+s3+$0x0], $0xffff;
	s12 =	spop (v2sf)  }
0xad: {  	s0 =	sadd.s32 s0, s12  }
0xae: {  	v7 =	vmov s0  }
0xaf: {  	v7 =	vadd.s32 $0xFFFFFFFF, v7  }
0xb0: {  	v7 =	vbroadcast v7, $0x0;
	_ =	sdelay $0x1  }
0xb1: {  	vm1 =	vgt.s32 v6, $0xFFFFFFFF  }
0xb2: {  	v8 =	vsel vm1, $0x1, v0  }
0xb3: {  	(xrf0) =	vadd.scan.msk.s32 $0xffff, v8;
	_ =	sdelay $0x5  }
0xb4: {  	v8, _, _ =	vpop (xrf0)  }
0xb5: {  	v9 =	vld [tilespmem:s1+$0x2B80];
	v7 =	vadd.s32 v7, v8;
	(v2sf) =	vpush v8, $0xF;
	_ =	sdelay $0x1  }
.Ltmp6:
0xb6: {  	(pc) =	sbr.rel @p0 .LBB2_10-.Ltmp6, $3  }
0xb7: {  	_ =	sdelay $0x1  }
0xb8: {  	[tilespmem:v7+s19+$0x0] =	vst.idx.msk vm1, v9  }
0xb9: {  	s1 =	sshra.s32 s11, $0x2;
	s11 =	sadd.s32 $0x40, s11;
	[tilespmem:v7+s20+$0x0] =	vst.idx.msk vm1, v6  }
0xba: {  	v6 =	vld [tilespmem:s1+$0x3F80];
	_ =	sdelay $0x7  }
0xbb: {  	v6 =	vld.idx.msk [tilespmem:v6+s3+$0x0], $0xffff;
	_ =	sdelay $0x4  }
0xbc: {  	vm1 =	vgt.s32 v6, $0xFFFFFFFF  }
0xbd: {  	v7 =	vsel vm1, $0x1, v0  }
0xbe: {  	(xrf0) =	vadd.scan.msk.s32 $0xffff, v7;
	_ =	sdelay $0x5  }
0xbf: {  	v7, _, _ =	vpop (xrf0)  }
0xc0: {  	(v2sf) =	vpush v7, $0xF;
	_ =	sdelay $0xd  }
0xc1: {  	s11 =	spop (v2sf)  }
0xc2: {  	s0 =	sadd.s32 s0, s11;
	s31 =	spop (v2sf)  }
0xc3: {  	s12 =	sadd.s32 s0, s31  }
0xc4: {  	s11 =	sadd.s32 $0x3F, s12  }
0xc5: {  	s13 =	sand.u32 $0x3F, s11  }
0xc6: {  	s2 =	sshra.s32 s11, $0x1F;
	p1 =	slt.s32 s11, $0x1;
	p0 =	sne.s32 s13, $0x0  }
0xc7: {  	s13 =	sshrl.u32 s2, $0x1A;
	p0 =	por !p1, !p0  }
0xc8: {  	s11 =	sadd.s32 s13, s11;
	s13 =	simm.s32 $0x1;
	p0 =	por !p0, !p0  }
0xc9: {  	s11 =	sshra.s32 s11, $0x6;
	s13 =	simm.s32 @!p0 $0x0  }
0xca: {  	s13 =	ssub.s32 s11, s13  }
0xcb: {  	v8 =	vmov s0;
	s0 =	sadd.s32 $0x1, s13  }
0xcc: {  	s14 =	sand.u32 $0x1, s0  }
0xcd: {  	p5 =	slt.s32 s13, $0x0;
	p6 =	seq.s32 s14, $0x1  }
0xce: {  	v8 =	vadd.s32 $0xFFFFFFFF, v8;
	s31 =	sshrl.u32 s0, $0x1F;
	p0 =	por !p5, !p6  }
0xcf: {  	v9 =	vld [tilespmem:s1+$0x2B80];
	s1 =	simm.s32 $0x1;
	v8 =	vbroadcast v8, $0x0;
	s0 =	sadd.s32 s31, s0;
	p0 =	por !p0, !p0  }
0xd0: {  	s0 =	sshra.s32 s0, $0x1;
	s1 =	simm.s32 @!p0 $0x0  }
0xd1: {  	v7 =	vadd.s32 v8, v7;
	s14 =	ssub.s32 s0, s1  }
0xd2: {  	p0 =	slt.s32 s14, $0x1  }
.Ltmp7:
0xd3: {  	_ = 	snop;
	(pc) =	sbr.rel @p0 .LBB2_18-.Ltmp7, $3  }
0xd4: {  	_ =	sdelay $0x1  }
0xd5: {  	[tilespmem:v7+s19+$0x0] =	vst.idx.msk vm1, v9  }
0xd6: {  	[tilespmem:v7+s20+$0x0] =	vst.idx.msk vm1, v6  }
.Ltmp8:
0xd7: {  	(pc) =	sbr.rel .LBB2_13-.Ltmp8, $3  }
0xd8: {  	_ =	sdelay $0x1  }
0xd9: {  	s11 =	simm.s32 $0x0  }
0xda: {  	s31 =	simm.s32 $0x53A0;
	s1 =	simm.s32 $0x40;
	s0 =	simm.s32 $0x0  }
.LBB2_17:
0xdb: {  	s14 =	sadd.s32 $0xFFFFFFFF, s14  }
0xdc: {  	p0 =	sne.s32 s14, $0x0  }
.Ltmp9:
0xdd: {  	_ = 	snop;
	(pc) =	sbr.rel @!p0 .LBB2_18-.Ltmp9, $3  }
0xde: {  	_ =	sdelay $0x1  }
0xdf: {  	s0 =	sadd.s32 $0x2, s0  }
0xe0: {  	s11 =	sadd.s32 $0x2000, s11;
	s31 =	sadd.s32 $0x80, s31;
	s1 =	sadd.s32 $0x80, s1  }
.LBB2_13:
0xe1: {  	p1 =	sge.s32 s0, s13  }
.Ltmp10:
0xe2: {  	_ = 	snop;
	(pc) =	sbr.rel @p1 .LBB2_15-.Ltmp10, $2  }
0xe3: {  	_ =	sdelay $0x2  }
0xe4: {  	p0 =	seq.s32 s0, $0x0  }
0xe5: {  	s2 =	simm.s32 @!p0 $0x2  }
0xe6: {  	_ =	swait.ge @!p0 [sflag:s2], $0x8000  }
0xe7: {  	[sflag:s2] =	ssyncset.done @!p0 $0x0  }
0xe8: {  	[sflag:s2] =	ssyncadd.s32 @!p0 $0xFFFF8000  }
0xe9: {  	v6 =	vld [tilespmem:s31+$0xFFFFFFE0];
	_ =	sdelay $0x4  }
0xea: {  	[tilespmem:$0x7B80] =	vst v6  }
0xeb: {  	v7 =	vld [tilespmem:s31+$0xFFFFFFF0];
	_ =	sdelay $0x4  }
0xec: {  	[tilespmem:$0x7B90] =	vst v7  }
0xed: {  	v7 =	vld [tilespmem:s31+$0x0];
	_ =	sdelay $0x1  }
0xee: {  	v8 =	vshll.u32 v6, $0x2  }
0xef: {  	v6 =	vand.u32 $0x7, v6;
	v8 =	vand.u32 $0xFFFFFFE0, v8  }
0xf0: {  	v6 =	vor.u32 v6, v8  }
0xf1: {  	[tilespmem:$0x7BA0] =	vst v7;
	v7 =	vperm.xlane v6, v3  }
0xf2: {  	v63 =	vld [tilespmem:s31+$0x10]  }
0xf3: {  	v7 =	vadd.s32 v4, v7;
	_ =	sdelay $0x1  }
0xf4: {  	v6 =	vperm.xlane v6, v5;
	_ =	sdelay $0x1  }
0xf5: {  	v6 =	vadd.s32 v4, v6;
	[tilespmem:$0x7BB0] =	vst v63  }
0xf6: {  	[tilespmem:s22], [sflag:$0x1] =	stream.indirect_vreg.gather [hbm4b:s4+s3], $0x80, v7, vm0, $0xb8;
	[tilespmem:$0x17E00] =	vst v63  }
0xf7: {  	_ = 	snop  }
0xf8: {  	[tilespmem:s23], [sflag:$0x1] =	stream.indirect_vreg.gather [hbm4b:s7+s3], $0x80, v7, vm0, $0xb8;
	[tilespmem:$0x17E00] =	vst v63  }
0xf9: {  	_ = 	snop  }
0xfa: {  	[tilespmem:s24], [sflag:$0x1] =	stream.indirect_vreg.gather [hbm4b:s4+s3], $0x80, v6, vm0, $0xb8;
	[tilespmem:$0x17E00] =	vst v63  }
0xfb: {  	_ = 	snop  }
0xfc: {  	[tilespmem:s25], [sflag:$0x1] =	stream.indirect_vreg.gather [hbm4b:s7+s3], $0x80, v6, vm0, $0xb8;
	[tilespmem:$0x17E00] =	vst v63  }
0xfd: {  	v6 =	vld [tilespmem:$0x7B90];
	_ =	sdelay $0x4  }
0xfe: {  	v7 =	vshll.u32 v6, $0x2  }
0xff: {  	v6 =	vand.u32 $0x7, v6;
	v7 =	vand.u32 $0xFFFFFFE0, v7  }
0x100: {  	v6 =	vor.u32 v6, v7  }
0x101: {  	v7 =	vperm.xlane v6, v3;
	_ =	sdelay $0x1  }
0x102: {  	v7 =	vadd.s32 v4, v7;
	_ =	sdelay $0x1  }
0x103: {  	v6 =	vperm.xlane v6, v5;
	_ =	sdelay $0x1  }
0x104: {  	v6 =	vadd.s32 v4, v6  }
0x105: {  	[tilespmem:s26], [sflag:$0x1] =	stream.indirect_vreg.gather [hbm4b:s4+s3], $0x80, v7, vm0, $0xb8;
	[tilespmem:$0x17E00] =	vst v63  }
0x106: {  	_ = 	snop  }
0x107: {  	[tilespmem:s28], [sflag:$0x1] =	stream.indirect_vreg.gather [hbm4b:s7+s3], $0x80, v7, vm0, $0xb8;
	[tilespmem:$0x17E00] =	vst v63  }
0x108: {  	_ = 	snop  }
0x109: {  	[tilespmem:s29], [sflag:$0x1] =	stream.indirect_vreg.gather [hbm4b:s4+s3], $0x80, v6, vm0, $0xb8;
	[tilespmem:$0x17E00] =	vst v63  }
0x10a: {  	_ = 	snop  }
0x10b: {  	[tilespmem:s30], [sflag:$0x1] =	stream.indirect_vreg.gather [hbm4b:s7+s3], $0x80, v6, vm0, $0xb8;
	[tilespmem:$0x17E00] =	vst v63  }
0x10c: {  	v6 =	vld [tilespmem:$0x7BA0];
	_ =	sdelay $0x4  }
0x10d: {  	v7 =	vshll.u32 v6, $0x2  }
0x10e: {  	v6 =	vand.u32 $0x7, v6;
	v7 =	vand.u32 $0xFFFFFFE0, v7  }
0x10f: {  	v6 =	vor.u32 v6, v7  }
0x110: {  	v7 =	vperm.xlane v6, v3;
	_ =	sdelay $0x1  }
0x111: {  	v7 =	vadd.s32 v4, v7;
	_ =	sdelay $0x1  }
0x112: {  	v6 =	vperm.xlane v6, v5;
	_ =	sdelay $0x1  }
0x113: {  	s2 =	simm.s32 $0xBD00;
	v6 =	vadd.s32 v4, v6  }
0x114: {  	[tilespmem:s2], [sflag:$0x1] =	stream.indirect_vreg.gather [hbm4b:s4+s3], $0x80, v7, vm0, $0xb8;
	[tilespmem:$0x17E00] =	vst v63  }
0x115: {  	s2 =	simm.s32 $0xC500  }
0x116: {  	[tilespmem:s2], [sflag:$0x1] =	stream.indirect_vreg.gather [hbm4b:s7+s3], $0x80, v7, vm0, $0xb8;
	[tilespmem:$0x17E00] =	vst v63  }
0x117: {  	s2 =	simm.s32 $0xCD00  }
0x118: {  	[tilespmem:s2], [sflag:$0x1] =	stream.indirect_vreg.gather [hbm4b:s4+s3], $0x80, v6, vm0, $0xb8;
	[tilespmem:$0x17E00] =	vst v63  }
0x119: {  	s2 =	simm.s32 $0xD500  }
0x11a: {  	[tilespmem:s2], [sflag:$0x1] =	stream.indirect_vreg.gather [hbm4b:s7+s3], $0x80, v6, vm0, $0xb8;
	[tilespmem:$0x17E00] =	vst v63  }
0x11b: {  	v6 =	vld [tilespmem:$0x7BB0];
	_ =	sdelay $0x4  }
0x11c: {  	v7 =	vshll.u32 v6, $0x2  }
0x11d: {  	v6 =	vand.u32 $0x7, v6;
	v7 =	vand.u32 $0xFFFFFFE0, v7  }
0x11e: {  	v6 =	vor.u32 v6, v7  }
0x11f: {  	v7 =	vperm.xlane v6, v3;
	_ =	sdelay $0x1  }
0x120: {  	v7 =	vadd.s32 v4, v7;
	_ =	sdelay $0x1  }
0x121: {  	v6 =	vperm.xlane v6, v5;
	_ =	sdelay $0x1  }
0x122: {  	s2 =	simm.s32 $0xDD00;
	v6 =	vadd.s32 v4, v6  }
0x123: {  	[tilespmem:s2], [sflag:$0x1] =	stream.indirect_vreg.gather [hbm4b:s4+s3], $0x80, v7, vm0, $0xb8;
	[tilespmem:$0x17E00] =	vst v63  }
0x124: {  	s2 =	simm.s32 $0xE500  }
0x125: {  	[tilespmem:s2], [sflag:$0x1] =	stream.indirect_vreg.gather [hbm4b:s7+s3], $0x80, v7, vm0, $0xb8;
	[tilespmem:$0x17E00] =	vst v63  }
0x126: {  	s2 =	simm.s32 $0xED00  }
0x127: {  	[tilespmem:s2], [sflag:$0x1] =	stream.indirect_vreg.gather [hbm4b:s4+s3], $0x80, v6, vm0, $0xb8;
	[tilespmem:$0x17E00] =	vst v63  }
0x128: {  	s2 =	simm.s32 $0xF500  }
0x129: {  	[tilespmem:s2], [sflag:$0x1] =	stream.indirect_vreg.gather [hbm4b:s7+s3], $0x80, v6, vm0, $0xb8;
	[tilespmem:$0x17E00] =	vst v63  }
0x12a: {  	_ =	swait.ge [sflag:s21], $0x8000  }
0x12b: {  	s2 =	sand.u32 $0x1FFFE000, s11;
	[sflag:s21] =	ssyncset.done $0x0  }
0x12c: {  	s2 =	sadd.s32 s2, s8;
	[sflag:s21] =	ssyncadd.s32 $0xFFFF8000  }
0x12d: {  	[hbm4b:s2+s3] =	stream.linear.scatter [tilespmem:s22], [sflag:$0x2], $0x8000, $0x38;
	[tilespmem:$0x17E00] =	vst v63  }
.LBB2_15:
0x12e: {  	s2 =	sadd.s32 $0x1, s0  }
0x12f: {  	p1 =	sge.s32 s2, s13  }
.Ltmp11:
0x130: {  	_ = 	snop;
	(pc) =	sbr.rel @p1 .LBB2_17-.Ltmp11, $1  }
0x131: {  	_ =	sdelay $0x3  }
0x132: {  	s2 =	simm.s32 @!p0 $0x3  }
0x133: {  	_ =	swait.ge @!p0 [sflag:s2], $0x8000  }
0x134: {  	[sflag:s2] =	ssyncset.done @!p0 $0x0  }
0x135: {  	[sflag:s2] =	ssyncadd.s32 @!p0 $0xFFFF8000  }
0x136: {  	v6 =	vld [tilespmem:s31+$0x20];
	_ =	sdelay $0x4  }
0x137: {  	s2 =	sor.u32 $0x50, s1;
	[tilespmem:$0x7C00] =	vst v6  }
0x138: {  	v7 =	vld [tilespmem:s2+$0x5380];
	_ =	sdelay $0x4  }
0x139: {  	s2 =	sor.u32 $0x60, s1;
	[tilespmem:$0x7C10] =	vst v7  }
0x13a: {  	v7 =	vld [tilespmem:s2+$0x5380];
	_ =	sdelay $0x1  }
0x13b: {  	v8 =	vshll.u32 v6, $0x2  }
0x13c: {  	v6 =	vand.u32 $0x7, v6;
	v8 =	vand.u32 $0xFFFFFFE0, v8  }
0x13d: {  	v6 =	vor.u32 v6, v8  }
0x13e: {  	s2 =	sor.u32 $0x70, s1;
	[tilespmem:$0x7C20] =	vst v7;
	v7 =	vperm.xlane v6, v3  }
0x13f: {  	v63 =	vld [tilespmem:s2+$0x5380]  }
0x140: {  	v7 =	vadd.s32 v4, v7;
	_ =	sdelay $0x1  }
0x141: {  	v6 =	vperm.xlane v6, v5;
	_ =	sdelay $0x1  }
0x142: {  	v6 =	vadd.s32 v4, v6;
	[tilespmem:$0x7C30] =	vst v63  }
0x143: {  	[tilespmem:s6], [sflag:$0x1] =	stream.indirect_vreg.gather [hbm4b:s4+s3], $0x80, v7, vm0, $0xb8;
	[tilespmem:$0x17E00] =	vst v63  }
0x144: {  	s2 =	simm.s32 $0x10500  }
0x145: {  	[tilespmem:s2], [sflag:$0x1] =	stream.indirect_vreg.gather [hbm4b:s7+s3], $0x80, v7, vm0, $0xb8;
	[tilespmem:$0x17E00] =	vst v63  }
0x146: {  	s2 =	simm.s32 $0x10D00  }
0x147: {  	[tilespmem:s2], [sflag:$0x1] =	stream.indirect_vreg.gather [hbm4b:s4+s3], $0x80, v6, vm0, $0xb8;
	[tilespmem:$0x17E00] =	vst v63  }
0x148: {  	s2 =	simm.s32 $0x11500  }
0x149: {  	[tilespmem:s2], [sflag:$0x1] =	stream.indirect_vreg.gather [hbm4b:s7+s3], $0x80, v6, vm0, $0xb8;
	[tilespmem:$0x17E00] =	vst v63  }
0x14a: {  	v6 =	vld [tilespmem:$0x7C10];
	_ =	sdelay $0x4  }
0x14b: {  	v7 =	vshll.u32 v6, $0x2  }
0x14c: {  	v6 =	vand.u32 $0x7, v6;
	v7 =	vand.u32 $0xFFFFFFE0, v7  }
0x14d: {  	v6 =	vor.u32 v6, v7  }
0x14e: {  	v7 =	vperm.xlane v6, v3;
	_ =	sdelay $0x1  }
0x14f: {  	v7 =	vadd.s32 v4, v7;
	_ =	sdelay $0x1  }
0x150: {  	v6 =	vperm.xlane v6, v5;
	_ =	sdelay $0x1  }
0x151: {  	s2 =	simm.s32 $0x11D00;
	v6 =	vadd.s32 v4, v6  }
0x152: {  	[tilespmem:s2], [sflag:$0x1] =	stream.indirect_vreg.gather [hbm4b:s4+s3], $0x80, v7, vm0, $0xb8;
	[tilespmem:$0x17E00] =	vst v63  }
0x153: {  	s2 =	simm.s32 $0x12500  }
0x154: {  	[tilespmem:s2], [sflag:$0x1] =	stream.indirect_vreg.gather [hbm4b:s7+s3], $0x80, v7, vm0, $0xb8;
	[tilespmem:$0x17E00] =	vst v63  }
0x155: {  	s2 =	simm.s32 $0x12D00  }
0x156: {  	[tilespmem:s2], [sflag:$0x1] =	stream.indirect_vreg.gather [hbm4b:s4+s3], $0x80, v6, vm0, $0xb8;
	[tilespmem:$0x17E00] =	vst v63  }
0x157: {  	s2 =	simm.s32 $0x13500  }
0x158: {  	[tilespmem:s2], [sflag:$0x1] =	stream.indirect_vreg.gather [hbm4b:s7+s3], $0x80, v6, vm0, $0xb8;
	[tilespmem:$0x17E00] =	vst v63  }
0x159: {  	v6 =	vld [tilespmem:$0x7C20];
	_ =	sdelay $0x4  }
0x15a: {  	v7 =	vshll.u32 v6, $0x2  }
0x15b: {  	v6 =	vand.u32 $0x7, v6;
	v7 =	vand.u32 $0xFFFFFFE0, v7  }
0x15c: {  	v6 =	vor.u32 v6, v7  }
0x15d: {  	v7 =	vperm.xlane v6, v3;
	_ =	sdelay $0x1  }
0x15e: {  	v7 =	vadd.s32 v4, v7;
	_ =	sdelay $0x1  }
0x15f: {  	v6 =	vperm.xlane v6, v5;
	_ =	sdelay $0x1  }
0x160: {  	s2 =	simm.s32 $0x13D00;
	v6 =	vadd.s32 v4, v6  }
0x161: {  	[tilespmem:s2], [sflag:$0x1] =	stream.indirect_vreg.gather [hbm4b:s4+s3], $0x80, v7, vm0, $0xb8;
	[tilespmem:$0x17E00] =	vst v63  }
0x162: {  	s2 =	simm.s32 $0x14500  }
0x163: {  	[tilespmem:s2], [sflag:$0x1] =	stream.indirect_vreg.gather [hbm4b:s7+s3], $0x80, v7, vm0, $0xb8;
	[tilespmem:$0x17E00] =	vst v63  }
0x164: {  	s2 =	simm.s32 $0x14D00  }
0x165: {  	[tilespmem:s2], [sflag:$0x1] =	stream.indirect_vreg.gather [hbm4b:s4+s3], $0x80, v6, vm0, $0xb8;
	[tilespmem:$0x17E00] =	vst v63  }
0x166: {  	_ = 	snop  }
0x167: {  	[tilespmem:s15], [sflag:$0x1] =	stream.indirect_vreg.gather [hbm4b:s7+s3], $0x80, v6, vm0, $0xb8;
	[tilespmem:$0x17E00] =	vst v63  }
0x168: {  	v6 =	vld [tilespmem:$0x7C30];
	_ =	sdelay $0x4  }
0x169: {  	v7 =	vshll.u32 v6, $0x2  }
0x16a: {  	v6 =	vand.u32 $0x7, v6;
	v7 =	vand.u32 $0xFFFFFFE0, v7  }
0x16b: {  	v6 =	vor.u32 v6, v7  }
0x16c: {  	v7 =	vperm.xlane v6, v3;
	_ =	sdelay $0x1  }
0x16d: {  	v7 =	vadd.s32 v4, v7;
	_ =	sdelay $0x1  }
0x16e: {  	v6 =	vperm.xlane v6, v5;
	_ =	sdelay $0x1  }
0x16f: {  	v6 =	vadd.s32 v4, v6  }
0x170: {  	[tilespmem:s17], [sflag:$0x1] =	stream.indirect_vreg.gather [hbm4b:s4+s3], $0x80, v7, vm0, $0xb8;
	[tilespmem:$0x17E00] =	vst v63  }
0x171: {  	_ = 	snop  }
0x172: {  	[tilespmem:s18], [sflag:$0x1] =	stream.indirect_vreg.gather [hbm4b:s7+s3], $0x80, v7, vm0, $0xb8;
	[tilespmem:$0x17E00] =	vst v63  }
0x173: {  	_ = 	snop  }
0x174: {  	[tilespmem:s5], [sflag:$0x1] =	stream.indirect_vreg.gather [hbm4b:s4+s3], $0x80, v6, vm0, $0xb8;
	[tilespmem:$0x17E00] =	vst v63  }
0x175: {  	_ = 	snop  }
0x176: {  	[tilespmem:s9], [sflag:$0x1] =	stream.indirect_vreg.gather [hbm4b:s7+s3], $0x80, v6, vm0, $0xb8;
	[tilespmem:$0x17E00] =	vst v63  }
.Ltmp12:
0x177: {  	_ = 	snop;
	(pc) =	sbr.rel .LBB2_17-.Ltmp12, $4  }
0x178: {  	s2 =	sadd.s32 $0x1000, s11;
	_ =	swait.ge [sflag:s21], $0x8000  }
0x179: {  	s2 =	sand.u32 $0x1FFFF000, s2;
	[sflag:s21] =	ssyncset.done $0x0  }
0x17a: {  	s2 =	sadd.s32 s2, s8;
	[sflag:s21] =	ssyncadd.s32 $0xFFFF8000  }
0x17b: {  	[hbm4b:s2+s3] =	stream.linear.scatter [tilespmem:s6], [sflag:$0x3], $0x8000, $0x38;
	[tilespmem:$0x17E00] =	vst v63  }
.LBB2_19:
0x17c: {  	_ =	sfence.sel $0x180000  }
0x17d: {  	[bflag:$0x0] =	sbarrier.arrive $0xFFFF  }
0x17e: {  	_ =	strace $0x90000047  }
0x17f: {  	s0 =	stileid.u32;
	[bflag:$0x2] =	sbarrier.arrive $0xFFFF  }
0x180: {  	p0 =	sne.s32 s0, $0x0;
	s0 =	rddreg [dreg:$0x3]  }
0x181: {  	s0 =	sadd.s32 @!p0 $0x100000, s0  }
0x182: {  	[sflag:s0] =	ssyncadd.tile.s32 @!p0 $0x1;
	_ =	shalt  }
.Lfunc_end2:
_tile_overlayer_lowered:
.L_overlay_start_2:
0x183: {  	(tag) =	ssettag $0x2  }
0x184: {  	s0 =	rddreg [dreg:$0x0];
	s2 =	stileid.u32  }
0x185: {  	s1 =	rddreg [dreg:$0x1];
	p0 =	sne.s32 s2, $0x0  }
0x186: {  	s3 =	rddreg [dreg:$0x2];
	[bflag:$0x3] =	sbarrier.arrive $0xFFFF;
	s2 =	simm.s32 @!p0 $0x1C04  }
0x187: {  	[timem:s3], [sflag:s2] =	dma.local @!p0 [hbm:s0], s1  }
0x188: {  	s0 =	simm.s32 @!p0 $0x4  }
0x189: {  	_ =	swait.ge @!p0 [sflag:s0], s1  }
0x18a: {  	s1 =	ssub.s32 @!p0 $0x0, s1;
	[sflag:s0] =	ssyncset.done @!p0 $0x0  }
0x18b: {  	[sflag:s0] =	ssyncadd.s32 @!p0 s1  }
0x18c: {  	[bflag:$0x3] =	sbarrier.arrive $0xFFFF  }
0x18d: {  	_ =	shalt  }

</sc_bundles>
